<compile_context>
chip_gen: v7x
topology: tpu7x:2x2x1
jax: 0.10.2.dev20260603
libtpu: 0.0.44.dev20260713+nightly
codegen_flags: <defaults>
</compile_context>

<pallas_src>
import functools

import jax
import jax.numpy as jnp
from jax import lax
from jax.experimental import pallas as pl
from jax.experimental.pallas import tpu as pltpu
from jax.experimental.pallas import tpu_sc as plsc

_NUM = 16
_NC = 2
_NS = 16


def kernel(x):
    b, c, t, h, w = x.shape
    bc = b * c
    rows_out = bc * _NUM
    nw = _NC * _NS
    per = rows_out // nw

    xr = x.reshape(bc * t, h, w)
    mesh = plsc.VectorSubcoreMesh(
        core_axis_name="c", subcore_axis_name="s",
        num_cores=_NC, num_subcores=_NS,
    )

    @functools.partial(
        pl.kernel,
        out_type=jax.ShapeDtypeStruct((rows_out, h, w), x.dtype),
        mesh=mesh,
        scratch_types=[
            pltpu.VMEM_SHARED((_NS, 2, h, w), jnp.float32),
            pltpu.SemaphoreType.DMA,
            pltpu.SemaphoreType.DMA,
            pltpu.SemaphoreType.DMA,
        ],
    )
    def sc_gather(x_hbm, out_hbm, buf, sem_in, sem_out0, sem_out1):
        sid = lax.axis_index("s")
        wid = sid * _NC + lax.axis_index("c")
        base = wid * per
        sems_out = (sem_out0, sem_out1)

        def fetch(k):
            r = base + k
            g = r // _NUM
            j = r - g * _NUM
            src = g * t + (j * (t - 1)) // (_NUM - 1)
            return pltpu.make_async_copy(
                x_hbm.at[src], buf.at[sid, k % 2], sem_in)

        def store(k):
            return pltpu.make_async_copy(
                buf.at[sid, k % 2], out_hbm.at[base + k], sems_out[k % 2])

        stores = [None] * per
        fetch(0).start()
        for k in range(per):
            fetch(k).wait()
            stores[k] = store(k)
            stores[k].start()
            if k + 1 < per:
                if k >= 1:
                    stores[k - 1].wait()
                fetch(k + 1).start()
        stores[per - 1].wait()

    out = sc_gather(xr)
    return out.reshape(b, c, _NUM, h, w)

# --- scband reference (transcript-rebuilt; emitter-appended) ---
"""Pipeline reference for scband-uniform-temporal-subsample-20237885899251 (READ-ONLY COPY).

The authoritative reference and input builder live on the scoring server;
editing this copy changes nothing except your own understanding.
"""

import jax, jax.numpy as jnp
import numpy as np

NUM_SAMPLES = 16

def setup_inputs(seed: int = 0) -> dict:
    key = jax.random.key(seed)
    x = jax.random.normal(key, (8, 3, 64, 224, 224), dtype=jnp.float32)
    return {"x": x}

def reference(x):
    t_dim = -3
    t = x.shape[t_dim]
    indices = jnp.linspace(0.0, t - 1, NUM_SAMPLES)
    indices = jnp.clip(indices, 0, t - 1).astype(jnp.int32)
    return jnp.take(x, indices, axis=t_dim)

if __name__ == "__main__":
    import jax
    _d = setup_inputs()
    print(jax.jit(kernel)(*tuple(_d.values())))

</pallas_src>

<mosaic_0001>
#map = affine_map<(d0, d1) -> (0, 0, 0)>
module attributes {stable_mosaic.version = 14 : i64} {
  func.func @sc_gather(%arg0: i32, %arg1: i32, %arg2: memref<1536x224x224xf32, #tpu.memory_space<hbm>>, %arg3: memref<384x224x224xf32, #tpu.memory_space<hbm>>, %arg4: memref<16x2x224x224xf32, #tpu.memory_space<vmem_shared>>, %arg5: memref<!tpu.dma_semaphore, #tpu.memory_space<semaphore_mem>>, %arg6: memref<!tpu.dma_semaphore, #tpu.memory_space<semaphore_mem>>, %arg7: memref<!tpu.dma_semaphore, #tpu.memory_space<semaphore_mem>>) attributes {dimension_semantics = [#tpu.dimension_semantics<core_parallel>, #tpu.dimension_semantics<subcore_parallel>], iteration_bounds = array<i64: 2, 16>, scalar_prefetch = 0 : i64, scratch_operands = 4 : i64, tpu.core_type = #tpu.core_type<sc_vector_subcore>, window_params = [{transform_indices = #map}, {transform_indices = #map}]} {
    %mul3A = arith.constant 2 : i32
    %mul3A_0 = arith.muli %arg1, %mul3A : i32
    %add3A = arith.addi %mul3A_0, %arg0 : i32
    %mul3A_1 = arith.constant 12 : i32
    %mul3A_2 = arith.muli %add3A, %mul3A_1 : i32
    %add3A_3 = arith.constant 0 : i32
    %add3A_4 = arith.addi %mul3A_2, %add3A_3 : i32
    %jit3A = arith.constant 16 : i32
    %div3A = arith.divsi %add3A_4, %jit3A : i32
    %sign3A = arith.constant 0 : i32
    %sign3A_5 = arith.cmpi sgt, %add3A_4, %sign3A : i32
    %sign3A_6 = arith.extui %sign3A_5 : i1 to i32
    %sign3A_7 = arith.constant 0 : i32
    %sign3A_8 = arith.cmpi slt, %add3A_4, %sign3A_7 : i32
    %sign3A_9 = arith.extui %sign3A_8 : i1 to i32
    %sign3A_10 = arith.subi %sign3A_6, %sign3A_9 : i32
    %sign3A_11 = arith.constant 0 : i32
    %sign3A_12 = arith.cmpi sgt, %jit3A, %sign3A_11 : i32
    %sign3A_13 = arith.extui %sign3A_12 : i1 to i32
    %sign3A_14 = arith.constant 0 : i32
    %sign3A_15 = arith.cmpi slt, %jit3A, %sign3A_14 : i32
    %sign3A_16 = arith.extui %sign3A_15 : i1 to i32
    %sign3A_17 = arith.subi %sign3A_13, %sign3A_16 : i32
    %ne3A = arith.cmpi ne, %sign3A_10, %sign3A_17 : i32
    %rem3A = arith.remsi %add3A_4, %jit3A : i32
    %ne3A_18 = arith.constant 0 : i32
    %ne3A_19 = arith.cmpi ne, %rem3A, %ne3A_18 : i32
    %and3A = arith.andi %ne3A, %ne3A_19 : i1
    %sub3A = arith.constant 1 : i32
    %sub3A_20 = arith.subi %div3A, %sub3A : i32
    %select_n3A = arith.select %and3A, %sub3A_20, %div3A : i32
    %mul3A_21 = arith.constant 16 : i32
    %mul3A_22 = arith.muli %select_n3A, %mul3A_21 : i32
    %sub3A_23 = arith.subi %add3A_4, %mul3A_22 : i32
    %mul3A_24 = arith.constant 64 : i32
    %mul3A_25 = arith.muli %select_n3A, %mul3A_24 : i32
    %mul3A_26 = arith.constant 63 : i32
    %mul3A_27 = arith.muli %sub3A_23, %mul3A_26 : i32
    %jit3A_28 = arith.constant 15 : i32
    %div3A_29 = arith.divsi %mul3A_27, %jit3A_28 : i32
    %sign3A_30 = arith.constant 0 : i32
    %sign3A_31 = arith.cmpi sgt, %mul3A_27, %sign3A_30 : i32
    %sign3A_32 = arith.extui %sign3A_31 : i1 to i32
    %sign3A_33 = arith.constant 0 : i32
    %sign3A_34 = arith.cmpi slt, %mul3A_27, %sign3A_33 : i32
    %sign3A_35 = arith.extui %sign3A_34 : i1 to i32
    %sign3A_36 = arith.subi %sign3A_32, %sign3A_35 : i32
    %sign3A_37 = arith.constant 0 : i32
    %sign3A_38 = arith.cmpi sgt, %jit3A_28, %sign3A_37 : i32
    %sign3A_39 = arith.extui %sign3A_38 : i1 to i32
    %sign3A_40 = arith.constant 0 : i32
    %sign3A_41 = arith.cmpi slt, %jit3A_28, %sign3A_40 : i32
    %sign3A_42 = arith.extui %sign3A_41 : i1 to i32
    %sign3A_43 = arith.subi %sign3A_39, %sign3A_42 : i32
    %ne3A_44 = arith.cmpi ne, %sign3A_36, %sign3A_43 : i32
    %rem3A_45 = arith.remsi %mul3A_27, %jit3A_28 : i32
    %ne3A_46 = arith.constant 0 : i32
    %ne3A_47 = arith.cmpi ne, %rem3A_45, %ne3A_46 : i32
    %and3A_48 = arith.andi %ne3A_44, %ne3A_47 : i1
    %sub3A_49 = arith.constant 1 : i32
    %sub3A_50 = arith.subi %div3A_29, %sub3A_49 : i32
    %select_n3A_51 = arith.select %and3A_48, %sub3A_50, %div3A_29 : i32
    %add3A_52 = arith.addi %mul3A_25, %select_n3A_51 : i32
    %dma_start3A = arith.constant 0 : i32
    %dma_start3A_53 = arith.constant 0 : i32
    %dma_start3A_54 = arith.constant 0 : i32
    %dma_start3A_55 = tpu.memref_slice %arg4[%arg1, %dma_start3A, %dma_start3A_53, %dma_start3A_54] : memref<16x2x224x224xf32, #tpu.memory_space<vmem_shared>> -> memref<1x1x224x224xf32, #tpu.memory_space<vmem_shared>>
    %dma_start3A_56 = tpu.memref_squeeze %dma_start3A_55 : memref<1x1x224x224xf32, #tpu.memory_space<vmem_shared>> -> memref<224x224xf32, #tpu.memory_space<vmem_shared>>
    %dma_start3A_57 = arith.constant 0 : i32
    %dma_start3A_58 = arith.constant 0 : i32
    %dma_start3A_59 = tpu.memref_slice %arg2[%add3A_52, %dma_start3A_57, %dma_start3A_58] : memref<1536x224x224xf32, #tpu.memory_space<hbm>> -> memref<1x224x224xf32, #tpu.memory_space<hbm>>
    %dma_start3A_60 = tpu.memref_squeeze %dma_start3A_59 : memref<1x224x224xf32, #tpu.memory_space<hbm>> -> memref<224x224xf32, #tpu.memory_space<hbm>>
    tpu.enqueue_dma source(%dma_start3A_60 : memref<224x224xf32, #tpu.memory_space<hbm>>) target(%dma_start3A_56 : memref<224x224xf32, #tpu.memory_space<vmem_shared>>) target_semaphore(%arg5 : memref<!tpu.dma_semaphore, #tpu.memory_space<semaphore_mem>>)
    %add3A_61 = arith.constant 0 : i32
    %add3A_62 = arith.addi %mul3A_2, %add3A_61 : i32
    %jit3A_63 = arith.constant 16 : i32
    %div3A_64 = arith.divsi %add3A_62, %jit3A_63 : i32
    %sign3A_65 = arith.constant 0 : i32
    %sign3A_66 = arith.cmpi sgt, %add3A_62, %sign3A_65 : i32
    %sign3A_67 = arith.extui %sign3A_66 : i1 to i32
    %sign3A_68 = arith.constant 0 : i32
    %sign3A_69 = arith.cmpi slt, %add3A_62, %sign3A_68 : i32
    %sign3A_70 = arith.extui %sign3A_69 : i1 to i32
    %sign3A_71 = arith.subi %sign3A_67, %sign3A_70 : i32
    %sign3A_72 = arith.constant 0 : i32
    %sign3A_73 = arith.cmpi sgt, %jit3A_63, %sign3A_72 : i32
    %sign3A_74 = arith.extui %sign3A_73 : i1 to i32
    %sign3A_75 = arith.constant 0 : i32
    %sign3A_76 = arith.cmpi slt, %jit3A_63, %sign3A_75 : i32
    %sign3A_77 = arith.extui %sign3A_76 : i1 to i32
    %sign3A_78 = arith.subi %sign3A_74, %sign3A_77 : i32
    %ne3A_79 = arith.cmpi ne, %sign3A_71, %sign3A_78 : i32
    %rem3A_80 = arith.remsi %add3A_62, %jit3A_63 : i32
    %ne3A_81 = arith.constant 0 : i32
    %ne3A_82 = arith.cmpi ne, %rem3A_80, %ne3A_81 : i32
    %and3A_83 = arith.andi %ne3A_79, %ne3A_82 : i1
    %sub3A_84 = arith.constant 1 : i32
    %sub3A_85 = arith.subi %div3A_64, %sub3A_84 : i32
    %select_n3A_86 = arith.select %and3A_83, %sub3A_85, %div3A_64 : i32
    %mul3A_87 = arith.constant 16 : i32
    %mul3A_88 = arith.muli %select_n3A_86, %mul3A_87 : i32
    %sub3A_89 = arith.subi %add3A_62, %mul3A_88 : i32
    %mul3A_90 = arith.constant 64 : i32
    %mul3A_91 = arith.muli %select_n3A_86, %mul3A_90 : i32
    %mul3A_92 = arith.constant 63 : i32
    %mul3A_93 = arith.muli %sub3A_89, %mul3A_92 : i32
    %jit3A_94 = arith.constant 15 : i32
    %div3A_95 = arith.divsi %mul3A_93, %jit3A_94 : i32
    %sign3A_96 = arith.constant 0 : i32
    %sign3A_97 = arith.cmpi sgt, %mul3A_93, %sign3A_96 : i32
    %sign3A_98 = arith.extui %sign3A_97 : i1 to i32
    %sign3A_99 = arith.constant 0 : i32
    %sign3A_100 = arith.cmpi slt, %mul3A_93, %sign3A_99 : i32
    %sign3A_101 = arith.extui %sign3A_100 : i1 to i32
    %sign3A_102 = arith.subi %sign3A_98, %sign3A_101 : i32
    %sign3A_103 = arith.constant 0 : i32
    %sign3A_104 = arith.cmpi sgt, %jit3A_94, %sign3A_103 : i32
    %sign3A_105 = arith.extui %sign3A_104 : i1 to i32
    %sign3A_106 = arith.constant 0 : i32
    %sign3A_107 = arith.cmpi slt, %jit3A_94, %sign3A_106 : i32
    %sign3A_108 = arith.extui %sign3A_107 : i1 to i32
    %sign3A_109 = arith.subi %sign3A_105, %sign3A_108 : i32
    %ne3A_110 = arith.cmpi ne, %sign3A_102, %sign3A_109 : i32
    %rem3A_111 = arith.remsi %mul3A_93, %jit3A_94 : i32
    %ne3A_112 = arith.constant 0 : i32
    %ne3A_113 = arith.cmpi ne, %rem3A_111, %ne3A_112 : i32
    %and3A_114 = arith.andi %ne3A_110, %ne3A_113 : i1
    %sub3A_115 = arith.constant 1 : i32
    %sub3A_116 = arith.subi %div3A_95, %sub3A_115 : i32
    %select_n3A_117 = arith.select %and3A_114, %sub3A_116, %div3A_95 : i32
    %add3A_118 = arith.addi %mul3A_91, %select_n3A_117 : i32
    %dma_wait3A = arith.constant 0 : i32
    %dma_wait3A_119 = arith.constant 0 : i32
    %dma_wait3A_120 = arith.constant 0 : i32
    %dma_wait3A_121 = tpu.memref_slice %arg4[%arg1, %dma_wait3A, %dma_wait3A_119, %dma_wait3A_120] : memref<16x2x224x224xf32, #tpu.memory_space<vmem_shared>> -> memref<1x1x224x224xf32, #tpu.memory_space<vmem_shared>>
    %dma_wait3A_122 = tpu.memref_squeeze %dma_wait3A_121 : memref<1x1x224x224xf32, #tpu.memory_space<vmem_shared>> -> memref<224x224xf32, #tpu.memory_space<vmem_shared>>
    %dma_wait3A_123 = arith.constant 0 : i32
    %dma_wait3A_124 = arith.constant 0 : i32
    %dma_wait3A_125 = tpu.memref_slice %arg2[%add3A_118, %dma_wait3A_123, %dma_wait3A_124] : memref<1536x224x224xf32, #tpu.memory_space<hbm>> -> memref<1x224x224xf32, #tpu.memory_space<hbm>>
    %dma_wait3A_126 = tpu.memref_squeeze %dma_wait3A_125 : memref<1x224x224xf32, #tpu.memory_space<hbm>> -> memref<224x224xf32, #tpu.memory_space<hbm>>
    tpu.wait_dma2 semaphore(%arg5 : memref<!tpu.dma_semaphore, #tpu.memory_space<semaphore_mem>>) src(%dma_wait3A_126 : memref<224x224xf32, #tpu.memory_space<hbm>>) dst(%dma_wait3A_122 : memref<224x224xf32, #tpu.memory_space<vmem_shared>>)
    %add3A_127 = arith.constant 0 : i32
    %add3A_128 = arith.addi %mul3A_2, %add3A_127 : i32
    %dma_start3A_129 = arith.constant 0 : i32
    %dma_start3A_130 = arith.constant 0 : i32
    %dma_start3A_131 = arith.constant 0 : i32
    %dma_start3A_132 = tpu.memref_slice %arg3[%add3A_128, %dma_start3A_130, %dma_start3A_131] : memref<384x224x224xf32, #tpu.memory_space<hbm>> -> memref<1x224x224xf32, #tpu.memory_space<hbm>>
    %dma_start3A_133 = tpu.memref_squeeze %dma_start3A_132 : memref<1x224x224xf32, #tpu.memory_space<hbm>> -> memref<224x224xf32, #tpu.memory_space<hbm>>
    %dma_start3A_134 = arith.constant 0 : i32
    %dma_start3A_135 = arith.constant 0 : i32
    %dma_start3A_136 = tpu.memref_slice %arg4[%arg1, %dma_start3A_129, %dma_start3A_134, %dma_start3A_135] : memref<16x2x224x224xf32, #tpu.memory_space<vmem_shared>> -> memref<1x1x224x224xf32, #tpu.memory_space<vmem_shared>>
    %dma_start3A_137 = tpu.memref_squeeze %dma_start3A_136 : memref<1x1x224x224xf32, #tpu.memory_space<vmem_shared>> -> memref<224x224xf32, #tpu.memory_space<vmem_shared>>
    tpu.enqueue_dma source(%dma_start3A_137 : memref<224x224xf32, #tpu.memory_space<vmem_shared>>) target(%dma_start3A_133 : memref<224x224xf32, #tpu.memory_space<hbm>>) target_semaphore(%arg6 : memref<!tpu.dma_semaphore, #tpu.memory_space<semaphore_mem>>)
    %add3A_138 = arith.constant 1 : i32
    %add3A_139 = arith.addi %mul3A_2, %add3A_138 : i32
    %jit3A_140 = arith.constant 16 : i32
    %div3A_141 = arith.divsi %add3A_139, %jit3A_140 : i32
    %sign3A_142 = arith.constant 0 : i32
    %sign3A_143 = arith.cmpi sgt, %add3A_139, %sign3A_142 : i32
    %sign3A_144 = arith.extui %sign3A_143 : i1 to i32
    %sign3A_145 = arith.constant 0 : i32
    %sign3A_146 = arith.cmpi slt, %add3A_139, %sign3A_145 : i32
    %sign3A_147 = arith.extui %sign3A_146 : i1 to i32
    %sign3A_148 = arith.subi %sign3A_144, %sign3A_147 : i32
    %sign3A_149 = arith.constant 0 : i32
    %sign3A_150 = arith.cmpi sgt, %jit3A_140, %sign3A_149 : i32
    %sign3A_151 = arith.extui %sign3A_150 : i1 to i32
    %sign3A_152 = arith.constant 0 : i32
    %sign3A_153 = arith.cmpi slt, %jit3A_140, %sign3A_152 : i32
    %sign3A_154 = arith.extui %sign3A_153 : i1 to i32
    %sign3A_155 = arith.subi %sign3A_151, %sign3A_154 : i32
    %ne3A_156 = arith.cmpi ne, %sign3A_148, %sign3A_155 : i32
    %rem3A_157 = arith.remsi %add3A_139, %jit3A_140 : i32
    %ne3A_158 = arith.constant 0 : i32
    %ne3A_159 = arith.cmpi ne, %rem3A_157, %ne3A_158 : i32
    %and3A_160 = arith.andi %ne3A_156, %ne3A_159 : i1
    %sub3A_161 = arith.constant 1 : i32
    %sub3A_162 = arith.subi %div3A_141, %sub3A_161 : i32
    %select_n3A_163 = arith.select %and3A_160, %sub3A_162, %div3A_141 : i32
    %mul3A_164 = arith.constant 16 : i32
    %mul3A_165 = arith.muli %select_n3A_163, %mul3A_164 : i32
    %sub3A_166 = arith.subi %add3A_139, %mul3A_165 : i32
    %mul3A_167 = arith.constant 64 : i32
    %mul3A_168 = arith.muli %select_n3A_163, %mul3A_167 : i32
    %mul3A_169 = arith.constant 63 : i32
    %mul3A_170 = arith.muli %sub3A_166, %mul3A_169 : i32
    %jit3A_171 = arith.constant 15 : i32
    %div3A_172 = arith.divsi %mul3A_170, %jit3A_171 : i32
    %sign3A_173 = arith.constant 0 : i32
    %sign3A_174 = arith.cmpi sgt, %mul3A_170, %sign3A_173 : i32
    %sign3A_175 = arith.extui %sign3A_174 : i1 to i32
    %sign3A_176 = arith.constant 0 : i32
    %sign3A_177 = arith.cmpi slt, %mul3A_170, %sign3A_176 : i32
    %sign3A_178 = arith.extui %sign3A_177 : i1 to i32
    %sign3A_179 = arith.subi %sign3A_175, %sign3A_178 : i32
    %sign3A_180 = arith.constant 0 : i32
    %sign3A_181 = arith.cmpi sgt, %jit3A_171, %sign3A_180 : i32
    %sign3A_182 = arith.extui %sign3A_181 : i1 to i32
    %sign3A_183 = arith.constant 0 : i32
    %sign3A_184 = arith.cmpi slt, %jit3A_171, %sign3A_183 : i32
    %sign3A_185 = arith.extui %sign3A_184 : i1 to i32
    %sign3A_186 = arith.subi %sign3A_182, %sign3A_185 : i32
    %ne3A_187 = arith.cmpi ne, %sign3A_179, %sign3A_186 : i32
    %rem3A_188 = arith.remsi %mul3A_170, %jit3A_171 : i32
    %ne3A_189 = arith.constant 0 : i32
    %ne3A_190 = arith.cmpi ne, %rem3A_188, %ne3A_189 : i32
    %and3A_191 = arith.andi %ne3A_187, %ne3A_190 : i1
    %sub3A_192 = arith.constant 1 : i32
    %sub3A_193 = arith.subi %div3A_172, %sub3A_192 : i32
    %select_n3A_194 = arith.select %and3A_191, %sub3A_193, %div3A_172 : i32
    %add3A_195 = arith.addi %mul3A_168, %select_n3A_194 : i32
    %dma_start3A_196 = arith.constant 1 : i32
    %dma_start3A_197 = arith.constant 0 : i32
    %dma_start3A_198 = arith.constant 0 : i32
    %dma_start3A_199 = tpu.memref_slice %arg4[%arg1, %dma_start3A_196, %dma_start3A_197, %dma_start3A_198] : memref<16x2x224x224xf32, #tpu.memory_space<vmem_shared>> -> memref<1x1x224x224xf32, #tpu.memory_space<vmem_shared>>
    %dma_start3A_200 = tpu.memref_squeeze %dma_start3A_199 : memref<1x1x224x224xf32, #tpu.memory_space<vmem_shared>> -> memref<224x224xf32, #tpu.memory_space<vmem_shared>>
    %dma_start3A_201 = arith.constant 0 : i32
    %dma_start3A_202 = arith.constant 0 : i32
    %dma_start3A_203 = tpu.memref_slice %arg2[%add3A_195, %dma_start3A_201, %dma_start3A_202] : memref<1536x224x224xf32, #tpu.memory_space<hbm>> -> memref<1x224x224xf32, #tpu.memory_space<hbm>>
    %dma_start3A_204 = tpu.memref_squeeze %dma_start3A_203 : memref<1x224x224xf32, #tpu.memory_space<hbm>> -> memref<224x224xf32, #tpu.memory_space<hbm>>
    tpu.enqueue_dma source(%dma_start3A_204 : memref<224x224xf32, #tpu.memory_space<hbm>>) target(%dma_start3A_200 : memref<224x224xf32, #tpu.memory_space<vmem_shared>>) target_semaphore(%arg5 : memref<!tpu.dma_semaphore, #tpu.memory_space<semaphore_mem>>)
    %add3A_205 = arith.constant 1 : i32
    %add3A_206 = arith.addi %mul3A_2, %add3A_205 : i32
    %jit3A_207 = arith.constant 16 : i32
    %div3A_208 = arith.divsi %add3A_206, %jit3A_207 : i32
    %sign3A_209 = arith.constant 0 : i32
    %sign3A_210 = arith.cmpi sgt, %add3A_206, %sign3A_209 : i32
    %sign3A_211 = arith.extui %sign3A_210 : i1 to i32
    %sign3A_212 = arith.constant 0 : i32
    %sign3A_213 = arith.cmpi slt, %add3A_206, %sign3A_212 : i32
    %sign3A_214 = arith.extui %sign3A_213 : i1 to i32
    %sign3A_215 = arith.subi %sign3A_211, %sign3A_214 : i32
    %sign3A_216 = arith.constant 0 : i32
    %sign3A_217 = arith.cmpi sgt, %jit3A_207, %sign3A_216 : i32
    %sign3A_218 = arith.extui %sign3A_217 : i1 to i32
    %sign3A_219 = arith.constant 0 : i32
    %sign3A_220 = arith.cmpi slt, %jit3A_207, %sign3A_219 : i32
    %sign3A_221 = arith.extui %sign3A_220 : i1 to i32
    %sign3A_222 = arith.subi %sign3A_218, %sign3A_221 : i32
    %ne3A_223 = arith.cmpi ne, %sign3A_215, %sign3A_222 : i32
    %rem3A_224 = arith.remsi %add3A_206, %jit3A_207 : i32
    %ne3A_225 = arith.constant 0 : i32
    %ne3A_226 = arith.cmpi ne, %rem3A_224, %ne3A_225 : i32
    %and3A_227 = arith.andi %ne3A_223, %ne3A_226 : i1
    %sub3A_228 = arith.constant 1 : i32
    %sub3A_229 = arith.subi %div3A_208, %sub3A_228 : i32
    %select_n3A_230 = arith.select %and3A_227, %sub3A_229, %div3A_208 : i32
    %mul3A_231 = arith.constant 16 : i32
    %mul3A_232 = arith.muli %select_n3A_230, %mul3A_231 : i32
    %sub3A_233 = arith.subi %add3A_206, %mul3A_232 : i32
    %mul3A_234 = arith.constant 64 : i32
    %mul3A_235 = arith.muli %select_n3A_230, %mul3A_234 : i32
    %mul3A_236 = arith.constant 63 : i32
    %mul3A_237 = arith.muli %sub3A_233, %mul3A_236 : i32
    %jit3A_238 = arith.constant 15 : i32
    %div3A_239 = arith.divsi %mul3A_237, %jit3A_238 : i32
    %sign3A_240 = arith.constant 0 : i32
    %sign3A_241 = arith.cmpi sgt, %mul3A_237, %sign3A_240 : i32
    %sign3A_242 = arith.extui %sign3A_241 : i1 to i32
    %sign3A_243 = arith.constant 0 : i32
    %sign3A_244 = arith.cmpi slt, %mul3A_237, %sign3A_243 : i32
    %sign3A_245 = arith.extui %sign3A_244 : i1 to i32
    %sign3A_246 = arith.subi %sign3A_242, %sign3A_245 : i32
    %sign3A_247 = arith.constant 0 : i32
    %sign3A_248 = arith.cmpi sgt, %jit3A_238, %sign3A_247 : i32
    %sign3A_249 = arith.extui %sign3A_248 : i1 to i32
    %sign3A_250 = arith.constant 0 : i32
    %sign3A_251 = arith.cmpi slt, %jit3A_238, %sign3A_250 : i32
    %sign3A_252 = arith.extui %sign3A_251 : i1 to i32
    %sign3A_253 = arith.subi %sign3A_249, %sign3A_252 : i32
    %ne3A_254 = arith.cmpi ne, %sign3A_246, %sign3A_253 : i32
    %rem3A_255 = arith.remsi %mul3A_237, %jit3A_238 : i32
    %ne3A_256 = arith.constant 0 : i32
    %ne3A_257 = arith.cmpi ne, %rem3A_255, %ne3A_256 : i32
    %and3A_258 = arith.andi %ne3A_254, %ne3A_257 : i1
    %sub3A_259 = arith.constant 1 : i32
    %sub3A_260 = arith.subi %div3A_239, %sub3A_259 : i32
    %select_n3A_261 = arith.select %and3A_258, %sub3A_260, %div3A_239 : i32
    %add3A_262 = arith.addi %mul3A_235, %select_n3A_261 : i32
    %dma_wait3A_263 = arith.constant 1 : i32
    %dma_wait3A_264 = arith.constant 0 : i32
    %dma_wait3A_265 = arith.constant 0 : i32
    %dma_wait3A_266 = tpu.memref_slice %arg4[%arg1, %dma_wait3A_263, %dma_wait3A_264, %dma_wait3A_265] : memref<16x2x224x224xf32, #tpu.memory_space<vmem_shared>> -> memref<1x1x224x224xf32, #tpu.memory_space<vmem_shared>>
    %dma_wait3A_267 = tpu.memref_squeeze %dma_wait3A_266 : memref<1x1x224x224xf32, #tpu.memory_space<vmem_shared>> -> memref<224x224xf32, #tpu.memory_space<vmem_shared>>
    %dma_wait3A_268 = arith.constant 0 : i32
    %dma_wait3A_269 = arith.constant 0 : i32
    %dma_wait3A_270 = tpu.memref_slice %arg2[%add3A_262, %dma_wait3A_268, %dma_wait3A_269] : memref<1536x224x224xf32, #tpu.memory_space<hbm>> -> memref<1x224x224xf32, #tpu.memory_space<hbm>>
    %dma_wait3A_271 = tpu.memref_squeeze %dma_wait3A_270 : memref<1x224x224xf32, #tpu.memory_space<hbm>> -> memref<224x224xf32, #tpu.memory_space<hbm>>
    tpu.wait_dma2 semaphore(%arg5 : memref<!tpu.dma_semaphore, #tpu.memory_space<semaphore_mem>>) src(%dma_wait3A_271 : memref<224x224xf32, #tpu.memory_space<hbm>>) dst(%dma_wait3A_267 : memref<224x224xf32, #tpu.memory_space<vmem_shared>>)
    %add3A_272 = arith.constant 1 : i32
    %add3A_273 = arith.addi %mul3A_2, %add3A_272 : i32
    %dma_start3A_274 = arith.constant 1 : i32
    %dma_start3A_275 = arith.constant 0 : i32
    %dma_start3A_276 = arith.constant 0 : i32
    %dma_start3A_277 = tpu.memref_slice %arg3[%add3A_273, %dma_start3A_275, %dma_start3A_276] : memref<384x224x224xf32, #tpu.memory_space<hbm>> -> memref<1x224x224xf32, #tpu.memory_space<hbm>>
    %dma_start3A_278 = tpu.memref_squeeze %dma_start3A_277 : memref<1x224x224xf32, #tpu.memory_space<hbm>> -> memref<224x224xf32, #tpu.memory_space<hbm>>
    %dma_start3A_279 = arith.constant 0 : i32
    %dma_start3A_280 = arith.constant 0 : i32
    %dma_start3A_281 = tpu.memref_slice %arg4[%arg1, %dma_start3A_274, %dma_start3A_279, %dma_start3A_280] : memref<16x2x224x224xf32, #tpu.memory_space<vmem_shared>> -> memref<1x1x224x224xf32, #tpu.memory_space<vmem_shared>>
    %dma_start3A_282 = tpu.memref_squeeze %dma_start3A_281 : memref<1x1x224x224xf32, #tpu.memory_space<vmem_shared>> -> memref<224x224xf32, #tpu.memory_space<vmem_shared>>
    tpu.enqueue_dma source(%dma_start3A_282 : memref<224x224xf32, #tpu.memory_space<vmem_shared>>) target(%dma_start3A_278 : memref<224x224xf32, #tpu.memory_space<hbm>>) target_semaphore(%arg7 : memref<!tpu.dma_semaphore, #tpu.memory_space<semaphore_mem>>)
    %dma_wait3A_283 = arith.constant 0 : i32
    %dma_wait3A_284 = arith.constant 0 : i32
    %dma_wait3A_285 = arith.constant 0 : i32
    %dma_wait3A_286 = tpu.memref_slice %arg3[%add3A_128, %dma_wait3A_284, %dma_wait3A_285] : memref<384x224x224xf32, #tpu.memory_space<hbm>> -> memref<1x224x224xf32, #tpu.memory_space<hbm>>
    %dma_wait3A_287 = tpu.memref_squeeze %dma_wait3A_286 : memref<1x224x224xf32, #tpu.memory_space<hbm>> -> memref<224x224xf32, #tpu.memory_space<hbm>>
    %dma_wait3A_288 = arith.constant 0 : i32
    %dma_wait3A_289 = arith.constant 0 : i32
    %dma_wait3A_290 = tpu.memref_slice %arg4[%arg1, %dma_wait3A_283, %dma_wait3A_288, %dma_wait3A_289] : memref<16x2x224x224xf32, #tpu.memory_space<vmem_shared>> -> memref<1x1x224x224xf32, #tpu.memory_space<vmem_shared>>
    %dma_wait3A_291 = tpu.memref_squeeze %dma_wait3A_290 : memref<1x1x224x224xf32, #tpu.memory_space<vmem_shared>> -> memref<224x224xf32, #tpu.memory_space<vmem_shared>>
    tpu.wait_dma2 semaphore(%arg6 : memref<!tpu.dma_semaphore, #tpu.memory_space<semaphore_mem>>) src(%dma_wait3A_291 : memref<224x224xf32, #tpu.memory_space<vmem_shared>>) dst(%dma_wait3A_287 : memref<224x224xf32, #tpu.memory_space<hbm>>)
    %add3A_292 = arith.constant 2 : i32
    %add3A_293 = arith.addi %mul3A_2, %add3A_292 : i32
    %jit3A_294 = arith.constant 16 : i32
    %div3A_295 = arith.divsi %add3A_293, %jit3A_294 : i32
    %sign3A_296 = arith.constant 0 : i32
    %sign3A_297 = arith.cmpi sgt, %add3A_293, %sign3A_296 : i32
    %sign3A_298 = arith.extui %sign3A_297 : i1 to i32
    %sign3A_299 = arith.constant 0 : i32
    %sign3A_300 = arith.cmpi slt, %add3A_293, %sign3A_299 : i32
    %sign3A_301 = arith.extui %sign3A_300 : i1 to i32
    %sign3A_302 = arith.subi %sign3A_298, %sign3A_301 : i32
    %sign3A_303 = arith.constant 0 : i32
    %sign3A_304 = arith.cmpi sgt, %jit3A_294, %sign3A_303 : i32
    %sign3A_305 = arith.extui %sign3A_304 : i1 to i32
    %sign3A_306 = arith.constant 0 : i32
    %sign3A_307 = arith.cmpi slt, %jit3A_294, %sign3A_306 : i32
    %sign3A_308 = arith.extui %sign3A_307 : i1 to i32
    %sign3A_309 = arith.subi %sign3A_305, %sign3A_308 : i32
    %ne3A_310 = arith.cmpi ne, %sign3A_302, %sign3A_309 : i32
    %rem3A_311 = arith.remsi %add3A_293, %jit3A_294 : i32
    %ne3A_312 = arith.constant 0 : i32
    %ne3A_313 = arith.cmpi ne, %rem3A_311, %ne3A_312 : i32
    %and3A_314 = arith.andi %ne3A_310, %ne3A_313 : i1
    %sub3A_315 = arith.constant 1 : i32
    %sub3A_316 = arith.subi %div3A_295, %sub3A_315 : i32
    %select_n3A_317 = arith.select %and3A_314, %sub3A_316, %div3A_295 : i32
    %mul3A_318 = arith.constant 16 : i32
    %mul3A_319 = arith.muli %select_n3A_317, %mul3A_318 : i32
    %sub3A_320 = arith.subi %add3A_293, %mul3A_319 : i32
    %mul3A_321 = arith.constant 64 : i32
    %mul3A_322 = arith.muli %select_n3A_317, %mul3A_321 : i32
    %mul3A_323 = arith.constant 63 : i32
    %mul3A_324 = arith.muli %sub3A_320, %mul3A_323 : i32
    %jit3A_325 = arith.constant 15 : i32
    %div3A_326 = arith.divsi %mul3A_324, %jit3A_325 : i32
    %sign3A_327 = arith.constant 0 : i32
    %sign3A_328 = arith.cmpi sgt, %mul3A_324, %sign3A_327 : i32
    %sign3A_329 = arith.extui %sign3A_328 : i1 to i32
    %sign3A_330 = arith.constant 0 : i32
    %sign3A_331 = arith.cmpi slt, %mul3A_324, %sign3A_330 : i32
    %sign3A_332 = arith.extui %sign3A_331 : i1 to i32
    %sign3A_333 = arith.subi %sign3A_329, %sign3A_332 : i32
    %sign3A_334 = arith.constant 0 : i32
    %sign3A_335 = arith.cmpi sgt, %jit3A_325, %sign3A_334 : i32
    %sign3A_336 = arith.extui %sign3A_335 : i1 to i32
    %sign3A_337 = arith.constant 0 : i32
    %sign3A_338 = arith.cmpi slt, %jit3A_325, %sign3A_337 : i32
    %sign3A_339 = arith.extui %sign3A_338 : i1 to i32
    %sign3A_340 = arith.subi %sign3A_336, %sign3A_339 : i32
    %ne3A_341 = arith.cmpi ne, %sign3A_333, %sign3A_340 : i32
    %rem3A_342 = arith.remsi %mul3A_324, %jit3A_325 : i32
    %ne3A_343 = arith.constant 0 : i32
    %ne3A_344 = arith.cmpi ne, %rem3A_342, %ne3A_343 : i32
    %and3A_345 = arith.andi %ne3A_341, %ne3A_344 : i1
    %sub3A_346 = arith.constant 1 : i32
    %sub3A_347 = arith.subi %div3A_326, %sub3A_346 : i32
    %select_n3A_348 = arith.select %and3A_345, %sub3A_347, %div3A_326 : i32
    %add3A_349 = arith.addi %mul3A_322, %select_n3A_348 : i32
    %dma_start3A_350 = arith.constant 0 : i32
    %dma_start3A_351 = arith.constant 0 : i32
    %dma_start3A_352 = arith.constant 0 : i32
    %dma_start3A_353 = tpu.memref_slice %arg4[%arg1, %dma_start3A_350, %dma_start3A_351, %dma_start3A_352] : memref<16x2x224x224xf32, #tpu.memory_space<vmem_shared>> -> memref<1x1x224x224xf32, #tpu.memory_space<vmem_shared>>
    %dma_start3A_354 = tpu.memref_squeeze %dma_start3A_353 : memref<1x1x224x224xf32, #tpu.memory_space<vmem_shared>> -> memref<224x224xf32, #tpu.memory_space<vmem_shared>>
    %dma_start3A_355 = arith.constant 0 : i32
    %dma_start3A_356 = arith.constant 0 : i32
    %dma_start3A_357 = tpu.memref_slice %arg2[%add3A_349, %dma_start3A_355, %dma_start3A_356] : memref<1536x224x224xf32, #tpu.memory_space<hbm>> -> memref<1x224x224xf32, #tpu.memory_space<hbm>>
    %dma_start3A_358 = tpu.memref_squeeze %dma_start3A_357 : memref<1x224x224xf32, #tpu.memory_space<hbm>> -> memref<224x224xf32, #tpu.memory_space<hbm>>
    tpu.enqueue_dma source(%dma_start3A_358 : memref<224x224xf32, #tpu.memory_space<hbm>>) target(%dma_start3A_354 : memref<224x224xf32, #tpu.memory_space<vmem_shared>>) target_semaphore(%arg5 : memref<!tpu.dma_semaphore, #tpu.memory_space<semaphore_mem>>)
    %add3A_359 = arith.constant 2 : i32
    %add3A_360 = arith.addi %mul3A_2, %add3A_359 : i32
    %jit3A_361 = arith.constant 16 : i32
    %div3A_362 = arith.divsi %add3A_360, %jit3A_361 : i32
    %sign3A_363 = arith.constant 0 : i32
    %sign3A_364 = arith.cmpi sgt, %add3A_360, %sign3A_363 : i32
    %sign3A_365 = arith.extui %sign3A_364 : i1 to i32
    %sign3A_366 = arith.constant 0 : i32
    %sign3A_367 = arith.cmpi slt, %add3A_360, %sign3A_366 : i32
    %sign3A_368 = arith.extui %sign3A_367 : i1 to i32
    %sign3A_369 = arith.subi %sign3A_365, %sign3A_368 : i32
    %sign3A_370 = arith.constant 0 : i32
    %sign3A_371 = arith.cmpi sgt, %jit3A_361, %sign3A_370 : i32
    %sign3A_372 = arith.extui %sign3A_371 : i1 to i32
    %sign3A_373 = arith.constant 0 : i32
    %sign3A_374 = arith.cmpi slt, %jit3A_361, %sign3A_373 : i32
    %sign3A_375 = arith.extui %sign3A_374 : i1 to i32
    %sign3A_376 = arith.subi %sign3A_372, %sign3A_375 : i32
    %ne3A_377 = arith.cmpi ne, %sign3A_369, %sign3A_376 : i32
    %rem3A_378 = arith.remsi %add3A_360, %jit3A_361 : i32
    %ne3A_379 = arith.constant 0 : i32
    %ne3A_380 = arith.cmpi ne, %rem3A_378, %ne3A_379 : i32
    %and3A_381 = arith.andi %ne3A_377, %ne3A_380 : i1
    %sub3A_382 = arith.constant 1 : i32
    %sub3A_383 = arith.subi %div3A_362, %sub3A_382 : i32
    %select_n3A_384 = arith.select %and3A_381, %sub3A_383, %div3A_362 : i32
    %mul3A_385 = arith.constant 16 : i32
    %mul3A_386 = arith.muli %select_n3A_384, %mul3A_385 : i32
    %sub3A_387 = arith.subi %add3A_360, %mul3A_386 : i32
    %mul3A_388 = arith.constant 64 : i32
    %mul3A_389 = arith.muli %select_n3A_384, %mul3A_388 : i32
    %mul3A_390 = arith.constant 63 : i32
    %mul3A_391 = arith.muli %sub3A_387, %mul3A_390 : i32
    %jit3A_392 = arith.constant 15 : i32
    %div3A_393 = arith.divsi %mul3A_391, %jit3A_392 : i32
    %sign3A_394 = arith.constant 0 : i32
    %sign3A_395 = arith.cmpi sgt, %mul3A_391, %sign3A_394 : i32
    %sign3A_396 = arith.extui %sign3A_395 : i1 to i32
    %sign3A_397 = arith.constant 0 : i32
    %sign3A_398 = arith.cmpi slt, %mul3A_391, %sign3A_397 : i32
    %sign3A_399 = arith.extui %sign3A_398 : i1 to i32
    %sign3A_400 = arith.subi %sign3A_396, %sign3A_399 : i32
    %sign3A_401 = arith.constant 0 : i32
    %sign3A_402 = arith.cmpi sgt, %jit3A_392, %sign3A_401 : i32
    %sign3A_403 = arith.extui %sign3A_402 : i1 to i32
    %sign3A_404 = arith.constant 0 : i32
    %sign3A_405 = arith.cmpi slt, %jit3A_392, %sign3A_404 : i32
    %sign3A_406 = arith.extui %sign3A_405 : i1 to i32
    %sign3A_407 = arith.subi %sign3A_403, %sign3A_406 : i32
    %ne3A_408 = arith.cmpi ne, %sign3A_400, %sign3A_407 : i32
    %rem3A_409 = arith.remsi %mul3A_391, %jit3A_392 : i32
    %ne3A_410 = arith.constant 0 : i32
    %ne3A_411 = arith.cmpi ne, %rem3A_409, %ne3A_410 : i32
    %and3A_412 = arith.andi %ne3A_408, %ne3A_411 : i1
    %sub3A_413 = arith.constant 1 : i32
    %sub3A_414 = arith.subi %div3A_393, %sub3A_413 : i32
    %select_n3A_415 = arith.select %and3A_412, %sub3A_414, %div3A_393 : i32
    %add3A_416 = arith.addi %mul3A_389, %select_n3A_415 : i32
    %dma_wait3A_417 = arith.constant 0 : i32
    %dma_wait3A_418 = arith.constant 0 : i32
    %dma_wait3A_419 = arith.constant 0 : i32
    %dma_wait3A_420 = tpu.memref_slice %arg4[%arg1, %dma_wait3A_417, %dma_wait3A_418, %dma_wait3A_419] : memref<16x2x224x224xf32, #tpu.memory_space<vmem_shared>> -> memref<1x1x224x224xf32, #tpu.memory_space<vmem_shared>>
    %dma_wait3A_421 = tpu.memref_squeeze %dma_wait3A_420 : memref<1x1x224x224xf32, #tpu.memory_space<vmem_shared>> -> memref<224x224xf32, #tpu.memory_space<vmem_shared>>
    %dma_wait3A_422 = arith.constant 0 : i32
    %dma_wait3A_423 = arith.constant 0 : i32
    %dma_wait3A_424 = tpu.memref_slice %arg2[%add3A_416, %dma_wait3A_422, %dma_wait3A_423] : memref<1536x224x224xf32, #tpu.memory_space<hbm>> -> memref<1x224x224xf32, #tpu.memory_space<hbm>>
    %dma_wait3A_425 = tpu.memref_squeeze %dma_wait3A_424 : memref<1x224x224xf32, #tpu.memory_space<hbm>> -> memref<224x224xf32, #tpu.memory_space<hbm>>
    tpu.wait_dma2 semaphore(%arg5 : memref<!tpu.dma_semaphore, #tpu.memory_space<semaphore_mem>>) src(%dma_wait3A_425 : memref<224x224xf32, #tpu.memory_space<hbm>>) dst(%dma_wait3A_421 : memref<224x224xf32, #tpu.memory_space<vmem_shared>>)
    %add3A_426 = arith.constant 2 : i32
    %add3A_427 = arith.addi %mul3A_2, %add3A_426 : i32
    %dma_start3A_428 = arith.constant 0 : i32
    %dma_start3A_429 = arith.constant 0 : i32
    %dma_start3A_430 = arith.constant 0 : i32
    %dma_start3A_431 = tpu.memref_slice %arg3[%add3A_427, %dma_start3A_429, %dma_start3A_430] : memref<384x224x224xf32, #tpu.memory_space<hbm>> -> memref<1x224x224xf32, #tpu.memory_space<hbm>>
    %dma_start3A_432 = tpu.memref_squeeze %dma_start3A_431 : memref<1x224x224xf32, #tpu.memory_space<hbm>> -> memref<224x224xf32, #tpu.memory_space<hbm>>
    %dma_start3A_433 = arith.constant 0 : i32
    %dma_start3A_434 = arith.constant 0 : i32
    %dma_start3A_435 = tpu.memref_slice %arg4[%arg1, %dma_start3A_428, %dma_start3A_433, %dma_start3A_434] : memref<16x2x224x224xf32, #tpu.memory_space<vmem_shared>> -> memref<1x1x224x224xf32, #tpu.memory_space<vmem_shared>>
    %dma_start3A_436 = tpu.memref_squeeze %dma_start3A_435 : memref<1x1x224x224xf32, #tpu.memory_space<vmem_shared>> -> memref<224x224xf32, #tpu.memory_space<vmem_shared>>
    tpu.enqueue_dma source(%dma_start3A_436 : memref<224x224xf32, #tpu.memory_space<vmem_shared>>) target(%dma_start3A_432 : memref<224x224xf32, #tpu.memory_space<hbm>>) target_semaphore(%arg6 : memref<!tpu.dma_semaphore, #tpu.memory_space<semaphore_mem>>)
    %dma_wait3A_437 = arith.constant 1 : i32
    %dma_wait3A_438 = arith.constant 0 : i32
    %dma_wait3A_439 = arith.constant 0 : i32
    %dma_wait3A_440 = tpu.memref_slice %arg3[%add3A_273, %dma_wait3A_438, %dma_wait3A_439] : memref<384x224x224xf32, #tpu.memory_space<hbm>> -> memref<1x224x224xf32, #tpu.memory_space<hbm>>
    %dma_wait3A_441 = tpu.memref_squeeze %dma_wait3A_440 : memref<1x224x224xf32, #tpu.memory_space<hbm>> -> memref<224x224xf32, #tpu.memory_space<hbm>>
    %dma_wait3A_442 = arith.constant 0 : i32
    %dma_wait3A_443 = arith.constant 0 : i32
    %dma_wait3A_444 = tpu.memref_slice %arg4[%arg1, %dma_wait3A_437, %dma_wait3A_442, %dma_wait3A_443] : memref<16x2x224x224xf32, #tpu.memory_space<vmem_shared>> -> memref<1x1x224x224xf32, #tpu.memory_space<vmem_shared>>
    %dma_wait3A_445 = tpu.memref_squeeze %dma_wait3A_444 : memref<1x1x224x224xf32, #tpu.memory_space<vmem_shared>> -> memref<224x224xf32, #tpu.memory_space<vmem_shared>>
    tpu.wait_dma2 semaphore(%arg7 : memref<!tpu.dma_semaphore, #tpu.memory_space<semaphore_mem>>) src(%dma_wait3A_445 : memref<224x224xf32, #tpu.memory_space<vmem_shared>>) dst(%dma_wait3A_441 : memref<224x224xf32, #tpu.memory_space<hbm>>)
    %add3A_446 = arith.constant 3 : i32
    %add3A_447 = arith.addi %mul3A_2, %add3A_446 : i32
    %jit3A_448 = arith.constant 16 : i32
    %div3A_449 = arith.divsi %add3A_447, %jit3A_448 : i32
    %sign3A_450 = arith.constant 0 : i32
    %sign3A_451 = arith.cmpi sgt, %add3A_447, %sign3A_450 : i32
    %sign3A_452 = arith.extui %sign3A_451 : i1 to i32
    %sign3A_453 = arith.constant 0 : i32
    %sign3A_454 = arith.cmpi slt, %add3A_447, %sign3A_453 : i32
    %sign3A_455 = arith.extui %sign3A_454 : i1 to i32
    %sign3A_456 = arith.subi %sign3A_452, %sign3A_455 : i32
    %sign3A_457 = arith.constant 0 : i32
    %sign3A_458 = arith.cmpi sgt, %jit3A_448, %sign3A_457 : i32
    %sign3A_459 = arith.extui %sign3A_458 : i1 to i32
    %sign3A_460 = arith.constant 0 : i32
    %sign3A_461 = arith.cmpi slt, %jit3A_448, %sign3A_460 : i32
    %sign3A_462 = arith.extui %sign3A_461 : i1 to i32
    %sign3A_463 = arith.subi %sign3A_459, %sign3A_462 : i32
    %ne3A_464 = arith.cmpi ne, %sign3A_456, %sign3A_463 : i32
    %rem3A_465 = arith.remsi %add3A_447, %jit3A_448 : i32
    %ne3A_466 = arith.constant 0 : i32
    %ne3A_467 = arith.cmpi ne, %rem3A_465, %ne3A_466 : i32
    %and3A_468 = arith.andi %ne3A_464, %ne3A_467 : i1
    %sub3A_469 = arith.constant 1 : i32
    %sub3A_470 = arith.subi %div3A_449, %sub3A_469 : i32
    %select_n3A_471 = arith.select %and3A_468, %sub3A_470, %div3A_449 : i32
    %mul3A_472 = arith.constant 16 : i32
    %mul3A_473 = arith.muli %select_n3A_471, %mul3A_472 : i32
    %sub3A_474 = arith.subi %add3A_447, %mul3A_473 : i32
    %mul3A_475 = arith.constant 64 : i32
    %mul3A_476 = arith.muli %select_n3A_471, %mul3A_475 : i32
    %mul3A_477 = arith.constant 63 : i32
    %mul3A_478 = arith.muli %sub3A_474, %mul3A_477 : i32
    %jit3A_479 = arith.constant 15 : i32
    %div3A_480 = arith.divsi %mul3A_478, %jit3A_479 : i32
    %sign3A_481 = arith.constant 0 : i32
    %sign3A_482 = arith.cmpi sgt, %mul3A_478, %sign3A_481 : i32
    %sign3A_483 = arith.extui %sign3A_482 : i1 to i32
    %sign3A_484 = arith.constant 0 : i32
    %sign3A_485 = arith.cmpi slt, %mul3A_478, %sign3A_484 : i32
    %sign3A_486 = arith.extui %sign3A_485 : i1 to i32
    %sign3A_487 = arith.subi %sign3A_483, %sign3A_486 : i32
    %sign3A_488 = arith.constant 0 : i32
    %sign3A_489 = arith.cmpi sgt, %jit3A_479, %sign3A_488 : i32
    %sign3A_490 = arith.extui %sign3A_489 : i1 to i32
    %sign3A_491 = arith.constant 0 : i32
    %sign3A_492 = arith.cmpi slt, %jit3A_479, %sign3A_491 : i32
    %sign3A_493 = arith.extui %sign3A_492 : i1 to i32
    %sign3A_494 = arith.subi %sign3A_490, %sign3A_493 : i32
    %ne3A_495 = arith.cmpi ne, %sign3A_487, %sign3A_494 : i32
    %rem3A_496 = arith.remsi %mul3A_478, %jit3A_479 : i32
    %ne3A_497 = arith.constant 0 : i32
    %ne3A_498 = arith.cmpi ne, %rem3A_496, %ne3A_497 : i32
    %and3A_499 = arith.andi %ne3A_495, %ne3A_498 : i1
    %sub3A_500 = arith.constant 1 : i32
    %sub3A_501 = arith.subi %div3A_480, %sub3A_500 : i32
    %select_n3A_502 = arith.select %and3A_499, %sub3A_501, %div3A_480 : i32
    %add3A_503 = arith.addi %mul3A_476, %select_n3A_502 : i32
    %dma_start3A_504 = arith.constant 1 : i32
    %dma_start3A_505 = arith.constant 0 : i32
    %dma_start3A_506 = arith.constant 0 : i32
    %dma_start3A_507 = tpu.memref_slice %arg4[%arg1, %dma_start3A_504, %dma_start3A_505, %dma_start3A_506] : memref<16x2x224x224xf32, #tpu.memory_space<vmem_shared>> -> memref<1x1x224x224xf32, #tpu.memory_space<vmem_shared>>
    %dma_start3A_508 = tpu.memref_squeeze %dma_start3A_507 : memref<1x1x224x224xf32, #tpu.memory_space<vmem_shared>> -> memref<224x224xf32, #tpu.memory_space<vmem_shared>>
    %dma_start3A_509 = arith.constant 0 : i32
    %dma_start3A_510 = arith.constant 0 : i32
    %dma_start3A_511 = tpu.memref_slice %arg2[%add3A_503, %dma_start3A_509, %dma_start3A_510] : memref<1536x224x224xf32, #tpu.memory_space<hbm>> -> memref<1x224x224xf32, #tpu.memory_space<hbm>>
    %dma_start3A_512 = tpu.memref_squeeze %dma_start3A_511 : memref<1x224x224xf32, #tpu.memory_space<hbm>> -> memref<224x224xf32, #tpu.memory_space<hbm>>
    tpu.enqueue_dma source(%dma_start3A_512 : memref<224x224xf32, #tpu.memory_space<hbm>>) target(%dma_start3A_508 : memref<224x224xf32, #tpu.memory_space<vmem_shared>>) target_semaphore(%arg5 : memref<!tpu.dma_semaphore, #tpu.memory_space<semaphore_mem>>)
    %add3A_513 = arith.constant 3 : i32
    %add3A_514 = arith.addi %mul3A_2, %add3A_513 : i32
    %jit3A_515 = arith.constant 16 : i32
    %div3A_516 = arith.divsi %add3A_514, %jit3A_515 : i32
    %sign3A_517 = arith.constant 0 : i32
    %sign3A_518 = arith.cmpi sgt, %add3A_514, %sign3A_517 : i32
    %sign3A_519 = arith.extui %sign3A_518 : i1 to i32
    %sign3A_520 = arith.constant 0 : i32
    %sign3A_521 = arith.cmpi slt, %add3A_514, %sign3A_520 : i32
    %sign3A_522 = arith.extui %sign3A_521 : i1 to i32
    %sign3A_523 = arith.subi %sign3A_519, %sign3A_522 : i32
    %sign3A_524 = arith.constant 0 : i32
    %sign3A_525 = arith.cmpi sgt, %jit3A_515, %sign3A_524 : i32
    %sign3A_526 = arith.extui %sign3A_525 : i1 to i32
    %sign3A_527 = arith.constant 0 : i32
    %sign3A_528 = arith.cmpi slt, %jit3A_515, %sign3A_527 : i32
    %sign3A_529 = arith.extui %sign3A_528 : i1 to i32
    %sign3A_530 = arith.subi %sign3A_526, %sign3A_529 : i32
    %ne3A_531 = arith.cmpi ne, %sign3A_523, %sign3A_530 : i32
    %rem3A_532 = arith.remsi %add3A_514, %jit3A_515 : i32
    %ne3A_533 = arith.constant 0 : i32
    %ne3A_534 = arith.cmpi ne, %rem3A_532, %ne3A_533 : i32
    %and3A_535 = arith.andi %ne3A_531, %ne3A_534 : i1
    %sub3A_536 = arith.constant 1 : i32
    %sub3A_537 = arith.subi %div3A_516, %sub3A_536 : i32
    %select_n3A_538 = arith.select %and3A_535, %sub3A_537, %div3A_516 : i32
    %mul3A_539 = arith.constant 16 : i32
    %mul3A_540 = arith.muli %select_n3A_538, %mul3A_539 : i32
    %sub3A_541 = arith.subi %add3A_514, %mul3A_540 : i32
    %mul3A_542 = arith.constant 64 : i32
    %mul3A_543 = arith.muli %select_n3A_538, %mul3A_542 : i32
    %mul3A_544 = arith.constant 63 : i32
    %mul3A_545 = arith.muli %sub3A_541, %mul3A_544 : i32
    %jit3A_546 = arith.constant 15 : i32
    %div3A_547 = arith.divsi %mul3A_545, %jit3A_546 : i32
    %sign3A_548 = arith.constant 0 : i32
    %sign3A_549 = arith.cmpi sgt, %mul3A_545, %sign3A_548 : i32
    %sign3A_550 = arith.extui %sign3A_549 : i1 to i32
    %sign3A_551 = arith.constant 0 : i32
    %sign3A_552 = arith.cmpi slt, %mul3A_545, %sign3A_551 : i32
    %sign3A_553 = arith.extui %sign3A_552 : i1 to i32
    %sign3A_554 = arith.subi %sign3A_550, %sign3A_553 : i32
    %sign3A_555 = arith.constant 0 : i32
    %sign3A_556 = arith.cmpi sgt, %jit3A_546, %sign3A_555 : i32
    %sign3A_557 = arith.extui %sign3A_556 : i1 to i32
    %sign3A_558 = arith.constant 0 : i32
    %sign3A_559 = arith.cmpi slt, %jit3A_546, %sign3A_558 : i32
    %sign3A_560 = arith.extui %sign3A_559 : i1 to i32
    %sign3A_561 = arith.subi %sign3A_557, %sign3A_560 : i32
    %ne3A_562 = arith.cmpi ne, %sign3A_554, %sign3A_561 : i32
    %rem3A_563 = arith.remsi %mul3A_545, %jit3A_546 : i32
    %ne3A_564 = arith.constant 0 : i32
    %ne3A_565 = arith.cmpi ne, %rem3A_563, %ne3A_564 : i32
    %and3A_566 = arith.andi %ne3A_562, %ne3A_565 : i1
    %sub3A_567 = arith.constant 1 : i32
    %sub3A_568 = arith.subi %div3A_547, %sub3A_567 : i32
    %select_n3A_569 = arith.select %and3A_566, %sub3A_568, %div3A_547 : i32
    %add3A_570 = arith.addi %mul3A_543, %select_n3A_569 : i32
    %dma_wait3A_571 = arith.constant 1 : i32
    %dma_wait3A_572 = arith.constant 0 : i32
    %dma_wait3A_573 = arith.constant 0 : i32
    %dma_wait3A_574 = tpu.memref_slice %arg4[%arg1, %dma_wait3A_571, %dma_wait3A_572, %dma_wait3A_573] : memref<16x2x224x224xf32, #tpu.memory_space<vmem_shared>> -> memref<1x1x224x224xf32, #tpu.memory_space<vmem_shared>>
    %dma_wait3A_575 = tpu.memref_squeeze %dma_wait3A_574 : memref<1x1x224x224xf32, #tpu.memory_space<vmem_shared>> -> memref<224x224xf32, #tpu.memory_space<vmem_shared>>
    %dma_wait3A_576 = arith.constant 0 : i32
    %dma_wait3A_577 = arith.constant 0 : i32
    %dma_wait3A_578 = tpu.memref_slice %arg2[%add3A_570, %dma_wait3A_576, %dma_wait3A_577] : memref<1536x224x224xf32, #tpu.memory_space<hbm>> -> memref<1x224x224xf32, #tpu.memory_space<hbm>>
    %dma_wait3A_579 = tpu.memref_squeeze %dma_wait3A_578 : memref<1x224x224xf32, #tpu.memory_space<hbm>> -> memref<224x224xf32, #tpu.memory_space<hbm>>
    tpu.wait_dma2 semaphore(%arg5 : memref<!tpu.dma_semaphore, #tpu.memory_space<semaphore_mem>>) src(%dma_wait3A_579 : memref<224x224xf32, #tpu.memory_space<hbm>>) dst(%dma_wait3A_575 : memref<224x224xf32, #tpu.memory_space<vmem_shared>>)
    %add3A_580 = arith.constant 3 : i32
    %add3A_581 = arith.addi %mul3A_2, %add3A_580 : i32
    %dma_start3A_582 = arith.constant 1 : i32
    %dma_start3A_583 = arith.constant 0 : i32
    %dma_start3A_584 = arith.constant 0 : i32
    %dma_start3A_585 = tpu.memref_slice %arg3[%add3A_581, %dma_start3A_583, %dma_start3A_584] : memref<384x224x224xf32, #tpu.memory_space<hbm>> -> memref<1x224x224xf32, #tpu.memory_space<hbm>>
    %dma_start3A_586 = tpu.memref_squeeze %dma_start3A_585 : memref<1x224x224xf32, #tpu.memory_space<hbm>> -> memref<224x224xf32, #tpu.memory_space<hbm>>
    %dma_start3A_587 = arith.constant 0 : i32
    %dma_start3A_588 = arith.constant 0 : i32
    %dma_start3A_589 = tpu.memref_slice %arg4[%arg1, %dma_start3A_582, %dma_start3A_587, %dma_start3A_588] : memref<16x2x224x224xf32, #tpu.memory_space<vmem_shared>> -> memref<1x1x224x224xf32, #tpu.memory_space<vmem_shared>>
    %dma_start3A_590 = tpu.memref_squeeze %dma_start3A_589 : memref<1x1x224x224xf32, #tpu.memory_space<vmem_shared>> -> memref<224x224xf32, #tpu.memory_space<vmem_shared>>
    tpu.enqueue_dma source(%dma_start3A_590 : memref<224x224xf32, #tpu.memory_space<vmem_shared>>) target(%dma_start3A_586 : memref<224x224xf32, #tpu.memory_space<hbm>>) target_semaphore(%arg7 : memref<!tpu.dma_semaphore, #tpu.memory_space<semaphore_mem>>)
    %dma_wait3A_591 = arith.constant 0 : i32
    %dma_wait3A_592 = arith.constant 0 : i32
    %dma_wait3A_593 = arith.constant 0 : i32
    %dma_wait3A_594 = tpu.memref_slice %arg3[%add3A_427, %dma_wait3A_592, %dma_wait3A_593] : memref<384x224x224xf32, #tpu.memory_space<hbm>> -> memref<1x224x224xf32, #tpu.memory_space<hbm>>
    %dma_wait3A_595 = tpu.memref_squeeze %dma_wait3A_594 : memref<1x224x224xf32, #tpu.memory_space<hbm>> -> memref<224x224xf32, #tpu.memory_space<hbm>>
    %dma_wait3A_596 = arith.constant 0 : i32
    %dma_wait3A_597 = arith.constant 0 : i32
    %dma_wait3A_598 = tpu.memref_slice %arg4[%arg1, %dma_wait3A_591, %dma_wait3A_596, %dma_wait3A_597] : memref<16x2x224x224xf32, #tpu.memory_space<vmem_shared>> -> memref<1x1x224x224xf32, #tpu.memory_space<vmem_shared>>
    %dma_wait3A_599 = tpu.memref_squeeze %dma_wait3A_598 : memref<1x1x224x224xf32, #tpu.memory_space<vmem_shared>> -> memref<224x224xf32, #tpu.memory_space<vmem_shared>>
    tpu.wait_dma2 semaphore(%arg6 : memref<!tpu.dma_semaphore, #tpu.memory_space<semaphore_mem>>) src(%dma_wait3A_599 : memref<224x224xf32, #tpu.memory_space<vmem_shared>>) dst(%dma_wait3A_595 : memref<224x224xf32, #tpu.memory_space<hbm>>)
    %add3A_600 = arith.constant 4 : i32
    %add3A_601 = arith.addi %mul3A_2, %add3A_600 : i32
    %jit3A_602 = arith.constant 16 : i32
    %div3A_603 = arith.divsi %add3A_601, %jit3A_602 : i32
    %sign3A_604 = arith.constant 0 : i32
    %sign3A_605 = arith.cmpi sgt, %add3A_601, %sign3A_604 : i32
    %sign3A_606 = arith.extui %sign3A_605 : i1 to i32
    %sign3A_607 = arith.constant 0 : i32
    %sign3A_608 = arith.cmpi slt, %add3A_601, %sign3A_607 : i32
    %sign3A_609 = arith.extui %sign3A_608 : i1 to i32
    %sign3A_610 = arith.subi %sign3A_606, %sign3A_609 : i32
    %sign3A_611 = arith.constant 0 : i32
    %sign3A_612 = arith.cmpi sgt, %jit3A_602, %sign3A_611 : i32
    %sign3A_613 = arith.extui %sign3A_612 : i1 to i32
    %sign3A_614 = arith.constant 0 : i32
    %sign3A_615 = arith.cmpi slt, %jit3A_602, %sign3A_614 : i32
    %sign3A_616 = arith.extui %sign3A_615 : i1 to i32
    %sign3A_617 = arith.subi %sign3A_613, %sign3A_616 : i32
    %ne3A_618 = arith.cmpi ne, %sign3A_610, %sign3A_617 : i32
    %rem3A_619 = arith.remsi %add3A_601, %jit3A_602 : i32
    %ne3A_620 = arith.constant 0 : i32
    %ne3A_621 = arith.cmpi ne, %rem3A_619, %ne3A_620 : i32
    %and3A_622 = arith.andi %ne3A_618, %ne3A_621 : i1
    %sub3A_623 = arith.constant 1 : i32
    %sub3A_624 = arith.subi %div3A_603, %sub3A_623 : i32
    %select_n3A_625 = arith.select %and3A_622, %sub3A_624, %div3A_603 : i32
    %mul3A_626 = arith.constant 16 : i32
    %mul3A_627 = arith.muli %select_n3A_625, %mul3A_626 : i32
    %sub3A_628 = arith.subi %add3A_601, %mul3A_627 : i32
    %mul3A_629 = arith.constant 64 : i32
    %mul3A_630 = arith.muli %select_n3A_625, %mul3A_629 : i32
    %mul3A_631 = arith.constant 63 : i32
    %mul3A_632 = arith.muli %sub3A_628, %mul3A_631 : i32
    %jit3A_633 = arith.constant 15 : i32
    %div3A_634 = arith.divsi %mul3A_632, %jit3A_633 : i32
    %sign3A_635 = arith.constant 0 : i32
    %sign3A_636 = arith.cmpi sgt, %mul3A_632, %sign3A_635 : i32
    %sign3A_637 = arith.extui %sign3A_636 : i1 to i32
    %sign3A_638 = arith.constant 0 : i32
    %sign3A_639 = arith.cmpi slt, %mul3A_632, %sign3A_638 : i32
    %sign3A_640 = arith.extui %sign3A_639 : i1 to i32
    %sign3A_641 = arith.subi %sign3A_637, %sign3A_640 : i32
    %sign3A_642 = arith.constant 0 : i32
    %sign3A_643 = arith.cmpi sgt, %jit3A_633, %sign3A_642 : i32
    %sign3A_644 = arith.extui %sign3A_643 : i1 to i32
    %sign3A_645 = arith.constant 0 : i32
    %sign3A_646 = arith.cmpi slt, %jit3A_633, %sign3A_645 : i32
    %sign3A_647 = arith.extui %sign3A_646 : i1 to i32
    %sign3A_648 = arith.subi %sign3A_644, %sign3A_647 : i32
    %ne3A_649 = arith.cmpi ne, %sign3A_641, %sign3A_648 : i32
    %rem3A_650 = arith.remsi %mul3A_632, %jit3A_633 : i32
    %ne3A_651 = arith.constant 0 : i32
    %ne3A_652 = arith.cmpi ne, %rem3A_650, %ne3A_651 : i32
    %and3A_653 = arith.andi %ne3A_649, %ne3A_652 : i1
    %sub3A_654 = arith.constant 1 : i32
    %sub3A_655 = arith.subi %div3A_634, %sub3A_654 : i32
    %select_n3A_656 = arith.select %and3A_653, %sub3A_655, %div3A_634 : i32
    %add3A_657 = arith.addi %mul3A_630, %select_n3A_656 : i32
    %dma_start3A_658 = arith.constant 0 : i32
    %dma_start3A_659 = arith.constant 0 : i32
    %dma_start3A_660 = arith.constant 0 : i32
    %dma_start3A_661 = tpu.memref_slice %arg4[%arg1, %dma_start3A_658, %dma_start3A_659, %dma_start3A_660] : memref<16x2x224x224xf32, #tpu.memory_space<vmem_shared>> -> memref<1x1x224x224xf32, #tpu.memory_space<vmem_shared>>
    %dma_start3A_662 = tpu.memref_squeeze %dma_start3A_661 : memref<1x1x224x224xf32, #tpu.memory_space<vmem_shared>> -> memref<224x224xf32, #tpu.memory_space<vmem_shared>>
    %dma_start3A_663 = arith.constant 0 : i32
    %dma_start3A_664 = arith.constant 0 : i32
    %dma_start3A_665 = tpu.memref_slice %arg2[%add3A_657, %dma_start3A_663, %dma_start3A_664] : memref<1536x224x224xf32, #tpu.memory_space<hbm>> -> memref<1x224x224xf32, #tpu.memory_space<hbm>>
    %dma_start3A_666 = tpu.memref_squeeze %dma_start3A_665 : memref<1x224x224xf32, #tpu.memory_space<hbm>> -> memref<224x224xf32, #tpu.memory_space<hbm>>
    tpu.enqueue_dma source(%dma_start3A_666 : memref<224x224xf32, #tpu.memory_space<hbm>>) target(%dma_start3A_662 : memref<224x224xf32, #tpu.memory_space<vmem_shared>>) target_semaphore(%arg5 : memref<!tpu.dma_semaphore, #tpu.memory_space<semaphore_mem>>)
    %add3A_667 = arith.constant 4 : i32
    %add3A_668 = arith.addi %mul3A_2, %add3A_667 : i32
    %jit3A_669 = arith.constant 16 : i32
    %div3A_670 = arith.divsi %add3A_668, %jit3A_669 : i32
    %sign3A_671 = arith.constant 0 : i32
    %sign3A_672 = arith.cmpi sgt, %add3A_668, %sign3A_671 : i32
    %sign3A_673 = arith.extui %sign3A_672 : i1 to i32
    %sign3A_674 = arith.constant 0 : i32
    %sign3A_675 = arith.cmpi slt, %add3A_668, %sign3A_674 : i32
    %sign3A_676 = arith.extui %sign3A_675 : i1 to i32
    %sign3A_677 = arith.subi %sign3A_673, %sign3A_676 : i32
    %sign3A_678 = arith.constant 0 : i32
    %sign3A_679 = arith.cmpi sgt, %jit3A_669, %sign3A_678 : i32
    %sign3A_680 = arith.extui %sign3A_679 : i1 to i32
    %sign3A_681 = arith.constant 0 : i32
    %sign3A_682 = arith.cmpi slt, %jit3A_669, %sign3A_681 : i32
    %sign3A_683 = arith.extui %sign3A_682 : i1 to i32
    %sign3A_684 = arith.subi %sign3A_680, %sign3A_683 : i32
    %ne3A_685 = arith.cmpi ne, %sign3A_677, %sign3A_684 : i32
    %rem3A_686 = arith.remsi %add3A_668, %jit3A_669 : i32
    %ne3A_687 = arith.constant 0 : i32
    %ne3A_688 = arith.cmpi ne, %rem3A_686, %ne3A_687 : i32
    %and3A_689 = arith.andi %ne3A_685, %ne3A_688 : i1
    %sub3A_690 = arith.constant 1 : i32
    %sub3A_691 = arith.subi %div3A_670, %sub3A_690 : i32
    %select_n3A_692 = arith.select %and3A_689, %sub3A_691, %div3A_670 : i32
    %mul3A_693 = arith.constant 16 : i32
    %mul3A_694 = arith.muli %select_n3A_692, %mul3A_693 : i32
    %sub3A_695 = arith.subi %add3A_668, %mul3A_694 : i32
    %mul3A_696 = arith.constant 64 : i32
    %mul3A_697 = arith.muli %select_n3A_692, %mul3A_696 : i32
    %mul3A_698 = arith.constant 63 : i32
    %mul3A_699 = arith.muli %sub3A_695, %mul3A_698 : i32
    %jit3A_700 = arith.constant 15 : i32
    %div3A_701 = arith.divsi %mul3A_699, %jit3A_700 : i32
    %sign3A_702 = arith.constant 0 : i32
    %sign3A_703 = arith.cmpi sgt, %mul3A_699, %sign3A_702 : i32
    %sign3A_704 = arith.extui %sign3A_703 : i1 to i32
    %sign3A_705 = arith.constant 0 : i32
    %sign3A_706 = arith.cmpi slt, %mul3A_699, %sign3A_705 : i32
    %sign3A_707 = arith.extui %sign3A_706 : i1 to i32
    %sign3A_708 = arith.subi %sign3A_704, %sign3A_707 : i32
    %sign3A_709 = arith.constant 0 : i32
    %sign3A_710 = arith.cmpi sgt, %jit3A_700, %sign3A_709 : i32
    %sign3A_711 = arith.extui %sign3A_710 : i1 to i32
    %sign3A_712 = arith.constant 0 : i32
    %sign3A_713 = arith.cmpi slt, %jit3A_700, %sign3A_712 : i32
    %sign3A_714 = arith.extui %sign3A_713 : i1 to i32
    %sign3A_715 = arith.subi %sign3A_711, %sign3A_714 : i32
    %ne3A_716 = arith.cmpi ne, %sign3A_708, %sign3A_715 : i32
    %rem3A_717 = arith.remsi %mul3A_699, %jit3A_700 : i32
    %ne3A_718 = arith.constant 0 : i32
    %ne3A_719 = arith.cmpi ne, %rem3A_717, %ne3A_718 : i32
    %and3A_720 = arith.andi %ne3A_716, %ne3A_719 : i1
    %sub3A_721 = arith.constant 1 : i32
    %sub3A_722 = arith.subi %div3A_701, %sub3A_721 : i32
    %select_n3A_723 = arith.select %and3A_720, %sub3A_722, %div3A_701 : i32
    %add3A_724 = arith.addi %mul3A_697, %select_n3A_723 : i32
    %dma_wait3A_725 = arith.constant 0 : i32
    %dma_wait3A_726 = arith.constant 0 : i32
    %dma_wait3A_727 = arith.constant 0 : i32
    %dma_wait3A_728 = tpu.memref_slice %arg4[%arg1, %dma_wait3A_725, %dma_wait3A_726, %dma_wait3A_727] : memref<16x2x224x224xf32, #tpu.memory_space<vmem_shared>> -> memref<1x1x224x224xf32, #tpu.memory_space<vmem_shared>>
    %dma_wait3A_729 = tpu.memref_squeeze %dma_wait3A_728 : memref<1x1x224x224xf32, #tpu.memory_space<vmem_shared>> -> memref<224x224xf32, #tpu.memory_space<vmem_shared>>
    %dma_wait3A_730 = arith.constant 0 : i32
    %dma_wait3A_731 = arith.constant 0 : i32
    %dma_wait3A_732 = tpu.memref_slice %arg2[%add3A_724, %dma_wait3A_730, %dma_wait3A_731] : memref<1536x224x224xf32, #tpu.memory_space<hbm>> -> memref<1x224x224xf32, #tpu.memory_space<hbm>>
    %dma_wait3A_733 = tpu.memref_squeeze %dma_wait3A_732 : memref<1x224x224xf32, #tpu.memory_space<hbm>> -> memref<224x224xf32, #tpu.memory_space<hbm>>
    tpu.wait_dma2 semaphore(%arg5 : memref<!tpu.dma_semaphore, #tpu.memory_space<semaphore_mem>>) src(%dma_wait3A_733 : memref<224x224xf32, #tpu.memory_space<hbm>>) dst(%dma_wait3A_729 : memref<224x224xf32, #tpu.memory_space<vmem_shared>>)
    %add3A_734 = arith.constant 4 : i32
    %add3A_735 = arith.addi %mul3A_2, %add3A_734 : i32
    %dma_start3A_736 = arith.constant 0 : i32
    %dma_start3A_737 = arith.constant 0 : i32
    %dma_start3A_738 = arith.constant 0 : i32
    %dma_start3A_739 = tpu.memref_slice %arg3[%add3A_735, %dma_start3A_737, %dma_start3A_738] : memref<384x224x224xf32, #tpu.memory_space<hbm>> -> memref<1x224x224xf32, #tpu.memory_space<hbm>>
    %dma_start3A_740 = tpu.memref_squeeze %dma_start3A_739 : memref<1x224x224xf32, #tpu.memory_space<hbm>> -> memref<224x224xf32, #tpu.memory_space<hbm>>
    %dma_start3A_741 = arith.constant 0 : i32
    %dma_start3A_742 = arith.constant 0 : i32
    %dma_start3A_743 = tpu.memref_slice %arg4[%arg1, %dma_start3A_736, %dma_start3A_741, %dma_start3A_742] : memref<16x2x224x224xf32, #tpu.memory_space<vmem_shared>> -> memref<1x1x224x224xf32, #tpu.memory_space<vmem_shared>>
    %dma_start3A_744 = tpu.memref_squeeze %dma_start3A_743 : memref<1x1x224x224xf32, #tpu.memory_space<vmem_shared>> -> memref<224x224xf32, #tpu.memory_space<vmem_shared>>
    tpu.enqueue_dma source(%dma_start3A_744 : memref<224x224xf32, #tpu.memory_space<vmem_shared>>) target(%dma_start3A_740 : memref<224x224xf32, #tpu.memory_space<hbm>>) target_semaphore(%arg6 : memref<!tpu.dma_semaphore, #tpu.memory_space<semaphore_mem>>)
    %dma_wait3A_745 = arith.constant 1 : i32
    %dma_wait3A_746 = arith.constant 0 : i32
    %dma_wait3A_747 = arith.constant 0 : i32
    %dma_wait3A_748 = tpu.memref_slice %arg3[%add3A_581, %dma_wait3A_746, %dma_wait3A_747] : memref<384x224x224xf32, #tpu.memory_space<hbm>> -> memref<1x224x224xf32, #tpu.memory_space<hbm>>
    %dma_wait3A_749 = tpu.memref_squeeze %dma_wait3A_748 : memref<1x224x224xf32, #tpu.memory_space<hbm>> -> memref<224x224xf32, #tpu.memory_space<hbm>>
    %dma_wait3A_750 = arith.constant 0 : i32
    %dma_wait3A_751 = arith.constant 0 : i32
    %dma_wait3A_752 = tpu.memref_slice %arg4[%arg1, %dma_wait3A_745, %dma_wait3A_750, %dma_wait3A_751] : memref<16x2x224x224xf32, #tpu.memory_space<vmem_shared>> -> memref<1x1x224x224xf32, #tpu.memory_space<vmem_shared>>
    %dma_wait3A_753 = tpu.memref_squeeze %dma_wait3A_752 : memref<1x1x224x224xf32, #tpu.memory_space<vmem_shared>> -> memref<224x224xf32, #tpu.memory_space<vmem_shared>>
    tpu.wait_dma2 semaphore(%arg7 : memref<!tpu.dma_semaphore, #tpu.memory_space<semaphore_mem>>) src(%dma_wait3A_753 : memref<224x224xf32, #tpu.memory_space<vmem_shared>>) dst(%dma_wait3A_749 : memref<224x224xf32, #tpu.memory_space<hbm>>)
    %add3A_754 = arith.constant 5 : i32
    %add3A_755 = arith.addi %mul3A_2, %add3A_754 : i32
    %jit3A_756 = arith.constant 16 : i32
    %div3A_757 = arith.divsi %add3A_755, %jit3A_756 : i32
    %sign3A_758 = arith.constant 0 : i32
    %sign3A_759 = arith.cmpi sgt, %add3A_755, %sign3A_758 : i32
    %sign3A_760 = arith.extui %sign3A_759 : i1 to i32
    %sign3A_761 = arith.constant 0 : i32
    %sign3A_762 = arith.cmpi slt, %add3A_755, %sign3A_761 : i32
    %sign3A_763 = arith.extui %sign3A_762 : i1 to i32
    %sign3A_764 = arith.subi %sign3A_760, %sign3A_763 : i32
    %sign3A_765 = arith.constant 0 : i32
    %sign3A_766 = arith.cmpi sgt, %jit3A_756, %sign3A_765 : i32
    %sign3A_767 = arith.extui %sign3A_766 : i1 to i32
    %sign3A_768 = arith.constant 0 : i32
    %sign3A_769 = arith.cmpi slt, %jit3A_756, %sign3A_768 : i32
    %sign3A_770 = arith.extui %sign3A_769 : i1 to i32
    %sign3A_771 = arith.subi %sign3A_767, %sign3A_770 : i32
    %ne3A_772 = arith.cmpi ne, %sign3A_764, %sign3A_771 : i32
    %rem3A_773 = arith.remsi %add3A_755, %jit3A_756 : i32
    %ne3A_774 = arith.constant 0 : i32
    %ne3A_775 = arith.cmpi ne, %rem3A_773, %ne3A_774 : i32
    %and3A_776 = arith.andi %ne3A_772, %ne3A_775 : i1
    %sub3A_777 = arith.constant 1 : i32
    %sub3A_778 = arith.subi %div3A_757, %sub3A_777 : i32
    %select_n3A_779 = arith.select %and3A_776, %sub3A_778, %div3A_757 : i32
    %mul3A_780 = arith.constant 16 : i32
    %mul3A_781 = arith.muli %select_n3A_779, %mul3A_780 : i32
    %sub3A_782 = arith.subi %add3A_755, %mul3A_781 : i32
    %mul3A_783 = arith.constant 64 : i32
    %mul3A_784 = arith.muli %select_n3A_779, %mul3A_783 : i32
    %mul3A_785 = arith.constant 63 : i32
    %mul3A_786 = arith.muli %sub3A_782, %mul3A_785 : i32
    %jit3A_787 = arith.constant 15 : i32
    %div3A_788 = arith.divsi %mul3A_786, %jit3A_787 : i32
    %sign3A_789 = arith.constant 0 : i32
    %sign3A_790 = arith.cmpi sgt, %mul3A_786, %sign3A_789 : i32
    %sign3A_791 = arith.extui %sign3A_790 : i1 to i32
    %sign3A_792 = arith.constant 0 : i32
    %sign3A_793 = arith.cmpi slt, %mul3A_786, %sign3A_792 : i32
    %sign3A_794 = arith.extui %sign3A_793 : i1 to i32
    %sign3A_795 = arith.subi %sign3A_791, %sign3A_794 : i32
    %sign3A_796 = arith.constant 0 : i32
    %sign3A_797 = arith.cmpi sgt, %jit3A_787, %sign3A_796 : i32
    %sign3A_798 = arith.extui %sign3A_797 : i1 to i32
    %sign3A_799 = arith.constant 0 : i32
    %sign3A_800 = arith.cmpi slt, %jit3A_787, %sign3A_799 : i32
    %sign3A_801 = arith.extui %sign3A_800 : i1 to i32
    %sign3A_802 = arith.subi %sign3A_798, %sign3A_801 : i32
    %ne3A_803 = arith.cmpi ne, %sign3A_795, %sign3A_802 : i32
    %rem3A_804 = arith.remsi %mul3A_786, %jit3A_787 : i32
    %ne3A_805 = arith.constant 0 : i32
    %ne3A_806 = arith.cmpi ne, %rem3A_804, %ne3A_805 : i32
    %and3A_807 = arith.andi %ne3A_803, %ne3A_806 : i1
    %sub3A_808 = arith.constant 1 : i32
    %sub3A_809 = arith.subi %div3A_788, %sub3A_808 : i32
    %select_n3A_810 = arith.select %and3A_807, %sub3A_809, %div3A_788 : i32
    %add3A_811 = arith.addi %mul3A_784, %select_n3A_810 : i32
    %dma_start3A_812 = arith.constant 1 : i32
    %dma_start3A_813 = arith.constant 0 : i32
    %dma_start3A_814 = arith.constant 0 : i32
    %dma_start3A_815 = tpu.memref_slice %arg4[%arg1, %dma_start3A_812, %dma_start3A_813, %dma_start3A_814] : memref<16x2x224x224xf32, #tpu.memory_space<vmem_shared>> -> memref<1x1x224x224xf32, #tpu.memory_space<vmem_shared>>
    %dma_start3A_816 = tpu.memref_squeeze %dma_start3A_815 : memref<1x1x224x224xf32, #tpu.memory_space<vmem_shared>> -> memref<224x224xf32, #tpu.memory_space<vmem_shared>>
    %dma_start3A_817 = arith.constant 0 : i32
    %dma_start3A_818 = arith.constant 0 : i32
    %dma_start3A_819 = tpu.memref_slice %arg2[%add3A_811, %dma_start3A_817, %dma_start3A_818] : memref<1536x224x224xf32, #tpu.memory_space<hbm>> -> memref<1x224x224xf32, #tpu.memory_space<hbm>>
    %dma_start3A_820 = tpu.memref_squeeze %dma_start3A_819 : memref<1x224x224xf32, #tpu.memory_space<hbm>> -> memref<224x224xf32, #tpu.memory_space<hbm>>
    tpu.enqueue_dma source(%dma_start3A_820 : memref<224x224xf32, #tpu.memory_space<hbm>>) target(%dma_start3A_816 : memref<224x224xf32, #tpu.memory_space<vmem_shared>>) target_semaphore(%arg5 : memref<!tpu.dma_semaphore, #tpu.memory_space<semaphore_mem>>)
    %add3A_821 = arith.constant 5 : i32
    %add3A_822 = arith.addi %mul3A_2, %add3A_821 : i32
    %jit3A_823 = arith.constant 16 : i32
    %div3A_824 = arith.divsi %add3A_822, %jit3A_823 : i32
    %sign3A_825 = arith.constant 0 : i32
    %sign3A_826 = arith.cmpi sgt, %add3A_822, %sign3A_825 : i32
    %sign3A_827 = arith.extui %sign3A_826 : i1 to i32
    %sign3A_828 = arith.constant 0 : i32
    %sign3A_829 = arith.cmpi slt, %add3A_822, %sign3A_828 : i32
    %sign3A_830 = arith.extui %sign3A_829 : i1 to i32
    %sign3A_831 = arith.subi %sign3A_827, %sign3A_830 : i32
    %sign3A_832 = arith.constant 0 : i32
    %sign3A_833 = arith.cmpi sgt, %jit3A_823, %sign3A_832 : i32
    %sign3A_834 = arith.extui %sign3A_833 : i1 to i32
    %sign3A_835 = arith.constant 0 : i32
    %sign3A_836 = arith.cmpi slt, %jit3A_823, %sign3A_835 : i32
    %sign3A_837 = arith.extui %sign3A_836 : i1 to i32
    %sign3A_838 = arith.subi %sign3A_834, %sign3A_837 : i32
    %ne3A_839 = arith.cmpi ne, %sign3A_831, %sign3A_838 : i32
    %rem3A_840 = arith.remsi %add3A_822, %jit3A_823 : i32
    %ne3A_841 = arith.constant 0 : i32
    %ne3A_842 = arith.cmpi ne, %rem3A_840, %ne3A_841 : i32
    %and3A_843 = arith.andi %ne3A_839, %ne3A_842 : i1
    %sub3A_844 = arith.constant 1 : i32
    %sub3A_845 = arith.subi %div3A_824, %sub3A_844 : i32
    %select_n3A_846 = arith.select %and3A_843, %sub3A_845, %div3A_824 : i32
    %mul3A_847 = arith.constant 16 : i32
    %mul3A_848 = arith.muli %select_n3A_846, %mul3A_847 : i32
    %sub3A_849 = arith.subi %add3A_822, %mul3A_848 : i32
    %mul3A_850 = arith.constant 64 : i32
    %mul3A_851 = arith.muli %select_n3A_846, %mul3A_850 : i32
    %mul3A_852 = arith.constant 63 : i32
    %mul3A_853 = arith.muli %sub3A_849, %mul3A_852 : i32
    %jit3A_854 = arith.constant 15 : i32
    %div3A_855 = arith.divsi %mul3A_853, %jit3A_854 : i32
    %sign3A_856 = arith.constant 0 : i32
    %sign3A_857 = arith.cmpi sgt, %mul3A_853, %sign3A_856 : i32
    %sign3A_858 = arith.extui %sign3A_857 : i1 to i32
    %sign3A_859 = arith.constant 0 : i32
    %sign3A_860 = arith.cmpi slt, %mul3A_853, %sign3A_859 : i32
    %sign3A_861 = arith.extui %sign3A_860 : i1 to i32
    %sign3A_862 = arith.subi %sign3A_858, %sign3A_861 : i32
    %sign3A_863 = arith.constant 0 : i32
    %sign3A_864 = arith.cmpi sgt, %jit3A_854, %sign3A_863 : i32
    %sign3A_865 = arith.extui %sign3A_864 : i1 to i32
    %sign3A_866 = arith.constant 0 : i32
    %sign3A_867 = arith.cmpi slt, %jit3A_854, %sign3A_866 : i32
    %sign3A_868 = arith.extui %sign3A_867 : i1 to i32
    %sign3A_869 = arith.subi %sign3A_865, %sign3A_868 : i32
    %ne3A_870 = arith.cmpi ne, %sign3A_862, %sign3A_869 : i32
    %rem3A_871 = arith.remsi %mul3A_853, %jit3A_854 : i32
    %ne3A_872 = arith.constant 0 : i32
    %ne3A_873 = arith.cmpi ne, %rem3A_871, %ne3A_872 : i32
    %and3A_874 = arith.andi %ne3A_870, %ne3A_873 : i1
    %sub3A_875 = arith.constant 1 : i32
    %sub3A_876 = arith.subi %div3A_855, %sub3A_875 : i32
    %select_n3A_877 = arith.select %and3A_874, %sub3A_876, %div3A_855 : i32
    %add3A_878 = arith.addi %mul3A_851, %select_n3A_877 : i32
    %dma_wait3A_879 = arith.constant 1 : i32
    %dma_wait3A_880 = arith.constant 0 : i32
    %dma_wait3A_881 = arith.constant 0 : i32
    %dma_wait3A_882 = tpu.memref_slice %arg4[%arg1, %dma_wait3A_879, %dma_wait3A_880, %dma_wait3A_881] : memref<16x2x224x224xf32, #tpu.memory_space<vmem_shared>> -> memref<1x1x224x224xf32, #tpu.memory_space<vmem_shared>>
    %dma_wait3A_883 = tpu.memref_squeeze %dma_wait3A_882 : memref<1x1x224x224xf32, #tpu.memory_space<vmem_shared>> -> memref<224x224xf32, #tpu.memory_space<vmem_shared>>
    %dma_wait3A_884 = arith.constant 0 : i32
    %dma_wait3A_885 = arith.constant 0 : i32
    %dma_wait3A_886 = tpu.memref_slice %arg2[%add3A_878, %dma_wait3A_884, %dma_wait3A_885] : memref<1536x224x224xf32, #tpu.memory_space<hbm>> -> memref<1x224x224xf32, #tpu.memory_space<hbm>>
    %dma_wait3A_887 = tpu.memref_squeeze %dma_wait3A_886 : memref<1x224x224xf32, #tpu.memory_space<hbm>> -> memref<224x224xf32, #tpu.memory_space<hbm>>
    tpu.wait_dma2 semaphore(%arg5 : memref<!tpu.dma_semaphore, #tpu.memory_space<semaphore_mem>>) src(%dma_wait3A_887 : memref<224x224xf32, #tpu.memory_space<hbm>>) dst(%dma_wait3A_883 : memref<224x224xf32, #tpu.memory_space<vmem_shared>>)
    %add3A_888 = arith.constant 5 : i32
    %add3A_889 = arith.addi %mul3A_2, %add3A_888 : i32
    %dma_start3A_890 = arith.constant 1 : i32
    %dma_start3A_891 = arith.constant 0 : i32
    %dma_start3A_892 = arith.constant 0 : i32
    %dma_start3A_893 = tpu.memref_slice %arg3[%add3A_889, %dma_start3A_891, %dma_start3A_892] : memref<384x224x224xf32, #tpu.memory_space<hbm>> -> memref<1x224x224xf32, #tpu.memory_space<hbm>>
    %dma_start3A_894 = tpu.memref_squeeze %dma_start3A_893 : memref<1x224x224xf32, #tpu.memory_space<hbm>> -> memref<224x224xf32, #tpu.memory_space<hbm>>
    %dma_start3A_895 = arith.constant 0 : i32
    %dma_start3A_896 = arith.constant 0 : i32
    %dma_start3A_897 = tpu.memref_slice %arg4[%arg1, %dma_start3A_890, %dma_start3A_895, %dma_start3A_896] : memref<16x2x224x224xf32, #tpu.memory_space<vmem_shared>> -> memref<1x1x224x224xf32, #tpu.memory_space<vmem_shared>>
    %dma_start3A_898 = tpu.memref_squeeze %dma_start3A_897 : memref<1x1x224x224xf32, #tpu.memory_space<vmem_shared>> -> memref<224x224xf32, #tpu.memory_space<vmem_shared>>
    tpu.enqueue_dma source(%dma_start3A_898 : memref<224x224xf32, #tpu.memory_space<vmem_shared>>) target(%dma_start3A_894 : memref<224x224xf32, #tpu.memory_space<hbm>>) target_semaphore(%arg7 : memref<!tpu.dma_semaphore, #tpu.memory_space<semaphore_mem>>)
    %dma_wait3A_899 = arith.constant 0 : i32
    %dma_wait3A_900 = arith.constant 0 : i32
    %dma_wait3A_901 = arith.constant 0 : i32
    %dma_wait3A_902 = tpu.memref_slice %arg3[%add3A_735, %dma_wait3A_900, %dma_wait3A_901] : memref<384x224x224xf32, #tpu.memory_space<hbm>> -> memref<1x224x224xf32, #tpu.memory_space<hbm>>
    %dma_wait3A_903 = tpu.memref_squeeze %dma_wait3A_902 : memref<1x224x224xf32, #tpu.memory_space<hbm>> -> memref<224x224xf32, #tpu.memory_space<hbm>>
    %dma_wait3A_904 = arith.constant 0 : i32
    %dma_wait3A_905 = arith.constant 0 : i32
    %dma_wait3A_906 = tpu.memref_slice %arg4[%arg1, %dma_wait3A_899, %dma_wait3A_904, %dma_wait3A_905] : memref<16x2x224x224xf32, #tpu.memory_space<vmem_shared>> -> memref<1x1x224x224xf32, #tpu.memory_space<vmem_shared>>
    %dma_wait3A_907 = tpu.memref_squeeze %dma_wait3A_906 : memref<1x1x224x224xf32, #tpu.memory_space<vmem_shared>> -> memref<224x224xf32, #tpu.memory_space<vmem_shared>>
    tpu.wait_dma2 semaphore(%arg6 : memref<!tpu.dma_semaphore, #tpu.memory_space<semaphore_mem>>) src(%dma_wait3A_907 : memref<224x224xf32, #tpu.memory_space<vmem_shared>>) dst(%dma_wait3A_903 : memref<224x224xf32, #tpu.memory_space<hbm>>)
    %add3A_908 = arith.constant 6 : i32
    %add3A_909 = arith.addi %mul3A_2, %add3A_908 : i32
    %jit3A_910 = arith.constant 16 : i32
    %div3A_911 = arith.divsi %add3A_909, %jit3A_910 : i32
    %sign3A_912 = arith.constant 0 : i32
    %sign3A_913 = arith.cmpi sgt, %add3A_909, %sign3A_912 : i32
    %sign3A_914 = arith.extui %sign3A_913 : i1 to i32
    %sign3A_915 = arith.constant 0 : i32
    %sign3A_916 = arith.cmpi slt, %add3A_909, %sign3A_915 : i32
    %sign3A_917 = arith.extui %sign3A_916 : i1 to i32
    %sign3A_918 = arith.subi %sign3A_914, %sign3A_917 : i32
    %sign3A_919 = arith.constant 0 : i32
    %sign3A_920 = arith.cmpi sgt, %jit3A_910, %sign3A_919 : i32
    %sign3A_921 = arith.extui %sign3A_920 : i1 to i32
    %sign3A_922 = arith.constant 0 : i32
    %sign3A_923 = arith.cmpi slt, %jit3A_910, %sign3A_922 : i32
    %sign3A_924 = arith.extui %sign3A_923 : i1 to i32
    %sign3A_925 = arith.subi %sign3A_921, %sign3A_924 : i32
    %ne3A_926 = arith.cmpi ne, %sign3A_918, %sign3A_925 : i32
    %rem3A_927 = arith.remsi %add3A_909, %jit3A_910 : i32
    %ne3A_928 = arith.constant 0 : i32
    %ne3A_929 = arith.cmpi ne, %rem3A_927, %ne3A_928 : i32
    %and3A_930 = arith.andi %ne3A_926, %ne3A_929 : i1
    %sub3A_931 = arith.constant 1 : i32
    %sub3A_932 = arith.subi %div3A_911, %sub3A_931 : i32
    %select_n3A_933 = arith.select %and3A_930, %sub3A_932, %div3A_911 : i32
    %mul3A_934 = arith.constant 16 : i32
    %mul3A_935 = arith.muli %select_n3A_933, %mul3A_934 : i32
    %sub3A_936 = arith.subi %add3A_909, %mul3A_935 : i32
    %mul3A_937 = arith.constant 64 : i32
    %mul3A_938 = arith.muli %select_n3A_933, %mul3A_937 : i32
    %mul3A_939 = arith.constant 63 : i32
    %mul3A_940 = arith.muli %sub3A_936, %mul3A_939 : i32
    %jit3A_941 = arith.constant 15 : i32
    %div3A_942 = arith.divsi %mul3A_940, %jit3A_941 : i32
    %sign3A_943 = arith.constant 0 : i32
    %sign3A_944 = arith.cmpi sgt, %mul3A_940, %sign3A_943 : i32
    %sign3A_945 = arith.extui %sign3A_944 : i1 to i32
    %sign3A_946 = arith.constant 0 : i32
    %sign3A_947 = arith.cmpi slt, %mul3A_940, %sign3A_946 : i32
    %sign3A_948 = arith.extui %sign3A_947 : i1 to i32
    %sign3A_949 = arith.subi %sign3A_945, %sign3A_948 : i32
    %sign3A_950 = arith.constant 0 : i32
    %sign3A_951 = arith.cmpi sgt, %jit3A_941, %sign3A_950 : i32
    %sign3A_952 = arith.extui %sign3A_951 : i1 to i32
    %sign3A_953 = arith.constant 0 : i32
    %sign3A_954 = arith.cmpi slt, %jit3A_941, %sign3A_953 : i32
    %sign3A_955 = arith.extui %sign3A_954 : i1 to i32
    %sign3A_956 = arith.subi %sign3A_952, %sign3A_955 : i32
    %ne3A_957 = arith.cmpi ne, %sign3A_949, %sign3A_956 : i32
    %rem3A_958 = arith.remsi %mul3A_940, %jit3A_941 : i32
    %ne3A_959 = arith.constant 0 : i32
    %ne3A_960 = arith.cmpi ne, %rem3A_958, %ne3A_959 : i32
    %and3A_961 = arith.andi %ne3A_957, %ne3A_960 : i1
    %sub3A_962 = arith.constant 1 : i32
    %sub3A_963 = arith.subi %div3A_942, %sub3A_962 : i32
    %select_n3A_964 = arith.select %and3A_961, %sub3A_963, %div3A_942 : i32
    %add3A_965 = arith.addi %mul3A_938, %select_n3A_964 : i32
    %dma_start3A_966 = arith.constant 0 : i32
    %dma_start3A_967 = arith.constant 0 : i32
    %dma_start3A_968 = arith.constant 0 : i32
    %dma_start3A_969 = tpu.memref_slice %arg4[%arg1, %dma_start3A_966, %dma_start3A_967, %dma_start3A_968] : memref<16x2x224x224xf32, #tpu.memory_space<vmem_shared>> -> memref<1x1x224x224xf32, #tpu.memory_space<vmem_shared>>
    %dma_start3A_970 = tpu.memref_squeeze %dma_start3A_969 : memref<1x1x224x224xf32, #tpu.memory_space<vmem_shared>> -> memref<224x224xf32, #tpu.memory_space<vmem_shared>>
    %dma_start3A_971 = arith.constant 0 : i32
    %dma_start3A_972 = arith.constant 0 : i32
    %dma_start3A_973 = tpu.memref_slice %arg2[%add3A_965, %dma_start3A_971, %dma_start3A_972] : memref<1536x224x224xf32, #tpu.memory_space<hbm>> -> memref<1x224x224xf32, #tpu.memory_space<hbm>>
    %dma_start3A_974 = tpu.memref_squeeze %dma_start3A_973 : memref<1x224x224xf32, #tpu.memory_space<hbm>> -> memref<224x224xf32, #tpu.memory_space<hbm>>
    tpu.enqueue_dma source(%dma_start3A_974 : memref<224x224xf32, #tpu.memory_space<hbm>>) target(%dma_start3A_970 : memref<224x224xf32, #tpu.memory_space<vmem_shared>>) target_semaphore(%arg5 : memref<!tpu.dma_semaphore, #tpu.memory_space<semaphore_mem>>)
    %add3A_975 = arith.constant 6 : i32
    %add3A_976 = arith.addi %mul3A_2, %add3A_975 : i32
    %jit3A_977 = arith.constant 16 : i32
    %div3A_978 = arith.divsi %add3A_976, %jit3A_977 : i32
    %sign3A_979 = arith.constant 0 : i32
    %sign3A_980 = arith.cmpi sgt, %add3A_976, %sign3A_979 : i32
    %sign3A_981 = arith.extui %sign3A_980 : i1 to i32
    %sign3A_982 = arith.constant 0 : i32
    %sign3A_983 = arith.cmpi slt, %add3A_976, %sign3A_982 : i32
    %sign3A_984 = arith.extui %sign3A_983 : i1 to i32
    %sign3A_985 = arith.subi %sign3A_981, %sign3A_984 : i32
    %sign3A_986 = arith.constant 0 : i32
    %sign3A_987 = arith.cmpi sgt, %jit3A_977, %sign3A_986 : i32
    %sign3A_988 = arith.extui %sign3A_987 : i1 to i32
    %sign3A_989 = arith.constant 0 : i32
    %sign3A_990 = arith.cmpi slt, %jit3A_977, %sign3A_989 : i32
    %sign3A_991 = arith.extui %sign3A_990 : i1 to i32
    %sign3A_992 = arith.subi %sign3A_988, %sign3A_991 : i32
    %ne3A_993 = arith.cmpi ne, %sign3A_985, %sign3A_992 : i32
    %rem3A_994 = arith.remsi %add3A_976, %jit3A_977 : i32
    %ne3A_995 = arith.constant 0 : i32
    %ne3A_996 = arith.cmpi ne, %rem3A_994, %ne3A_995 : i32
    %and3A_997 = arith.andi %ne3A_993, %ne3A_996 : i1
    %sub3A_998 = arith.constant 1 : i32
    %sub3A_999 = arith.subi %div3A_978, %sub3A_998 : i32
    %select_n3A_1000 = arith.select %and3A_997, %sub3A_999, %div3A_978 : i32
    %mul3A_1001 = arith.constant 16 : i32
    %mul3A_1002 = arith.muli %select_n3A_1000, %mul3A_1001 : i32
    %sub3A_1003 = arith.subi %add3A_976, %mul3A_1002 : i32
    %mul3A_1004 = arith.constant 64 : i32
    %mul3A_1005 = arith.muli %select_n3A_1000, %mul3A_1004 : i32
    %mul3A_1006 = arith.constant 63 : i32
    %mul3A_1007 = arith.muli %sub3A_1003, %mul3A_1006 : i32
    %jit3A_1008 = arith.constant 15 : i32
    %div3A_1009 = arith.divsi %mul3A_1007, %jit3A_1008 : i32
    %sign3A_1010 = arith.constant 0 : i32
    %sign3A_1011 = arith.cmpi sgt, %mul3A_1007, %sign3A_1010 : i32
    %sign3A_1012 = arith.extui %sign3A_1011 : i1 to i32
    %sign3A_1013 = arith.constant 0 : i32
    %sign3A_1014 = arith.cmpi slt, %mul3A_1007, %sign3A_1013 : i32
    %sign3A_1015 = arith.extui %sign3A_1014 : i1 to i32
    %sign3A_1016 = arith.subi %sign3A_1012, %sign3A_1015 : i32
    %sign3A_1017 = arith.constant 0 : i32
    %sign3A_1018 = arith.cmpi sgt, %jit3A_1008, %sign3A_1017 : i32
    %sign3A_1019 = arith.extui %sign3A_1018 : i1 to i32
    %sign3A_1020 = arith.constant 0 : i32
    %sign3A_1021 = arith.cmpi slt, %jit3A_1008, %sign3A_1020 : i32
    %sign3A_1022 = arith.extui %sign3A_1021 : i1 to i32
    %sign3A_1023 = arith.subi %sign3A_1019, %sign3A_1022 : i32
    %ne3A_1024 = arith.cmpi ne, %sign3A_1016, %sign3A_1023 : i32
    %rem3A_1025 = arith.remsi %mul3A_1007, %jit3A_1008 : i32
    %ne3A_1026 = arith.constant 0 : i32
    %ne3A_1027 = arith.cmpi ne, %rem3A_1025, %ne3A_1026 : i32
    %and3A_1028 = arith.andi %ne3A_1024, %ne3A_1027 : i1
    %sub3A_1029 = arith.constant 1 : i32
    %sub3A_1030 = arith.subi %div3A_1009, %sub3A_1029 : i32
    %select_n3A_1031 = arith.select %and3A_1028, %sub3A_1030, %div3A_1009 : i32
    %add3A_1032 = arith.addi %mul3A_1005, %select_n3A_1031 : i32
    %dma_wait3A_1033 = arith.constant 0 : i32
    %dma_wait3A_1034 = arith.constant 0 : i32
    %dma_wait3A_1035 = arith.constant 0 : i32
    %dma_wait3A_1036 = tpu.memref_slice %arg4[%arg1, %dma_wait3A_1033, %dma_wait3A_1034, %dma_wait3A_1035] : memref<16x2x224x224xf32, #tpu.memory_space<vmem_shared>> -> memref<1x1x224x224xf32, #tpu.memory_space<vmem_shared>>
    %dma_wait3A_1037 = tpu.memref_squeeze %dma_wait3A_1036 : memref<1x1x224x224xf32, #tpu.memory_space<vmem_shared>> -> memref<224x224xf32, #tpu.memory_space<vmem_shared>>
    %dma_wait3A_1038 = arith.constant 0 : i32
    %dma_wait3A_1039 = arith.constant 0 : i32
    %dma_wait3A_1040 = tpu.memref_slice %arg2[%add3A_1032, %dma_wait3A_1038, %dma_wait3A_1039] : memref<1536x224x224xf32, #tpu.memory_space<hbm>> -> memref<1x224x224xf32, #tpu.memory_space<hbm>>
    %dma_wait3A_1041 = tpu.memref_squeeze %dma_wait3A_1040 : memref<1x224x224xf32, #tpu.memory_space<hbm>> -> memref<224x224xf32, #tpu.memory_space<hbm>>
    tpu.wait_dma2 semaphore(%arg5 : memref<!tpu.dma_semaphore, #tpu.memory_space<semaphore_mem>>) src(%dma_wait3A_1041 : memref<224x224xf32, #tpu.memory_space<hbm>>) dst(%dma_wait3A_1037 : memref<224x224xf32, #tpu.memory_space<vmem_shared>>)
    %add3A_1042 = arith.constant 6 : i32
    %add3A_1043 = arith.addi %mul3A_2, %add3A_1042 : i32
    %dma_start3A_1044 = arith.constant 0 : i32
    %dma_start3A_1045 = arith.constant 0 : i32
    %dma_start3A_1046 = arith.constant 0 : i32
    %dma_start3A_1047 = tpu.memref_slice %arg3[%add3A_1043, %dma_start3A_1045, %dma_start3A_1046] : memref<384x224x224xf32, #tpu.memory_space<hbm>> -> memref<1x224x224xf32, #tpu.memory_space<hbm>>
    %dma_start3A_1048 = tpu.memref_squeeze %dma_start3A_1047 : memref<1x224x224xf32, #tpu.memory_space<hbm>> -> memref<224x224xf32, #tpu.memory_space<hbm>>
    %dma_start3A_1049 = arith.constant 0 : i32
    %dma_start3A_1050 = arith.constant 0 : i32
    %dma_start3A_1051 = tpu.memref_slice %arg4[%arg1, %dma_start3A_1044, %dma_start3A_1049, %dma_start3A_1050] : memref<16x2x224x224xf32, #tpu.memory_space<vmem_shared>> -> memref<1x1x224x224xf32, #tpu.memory_space<vmem_shared>>
    %dma_start3A_1052 = tpu.memref_squeeze %dma_start3A_1051 : memref<1x1x224x224xf32, #tpu.memory_space<vmem_shared>> -> memref<224x224xf32, #tpu.memory_space<vmem_shared>>
    tpu.enqueue_dma source(%dma_start3A_1052 : memref<224x224xf32, #tpu.memory_space<vmem_shared>>) target(%dma_start3A_1048 : memref<224x224xf32, #tpu.memory_space<hbm>>) target_semaphore(%arg6 : memref<!tpu.dma_semaphore, #tpu.memory_space<semaphore_mem>>)
    %dma_wait3A_1053 = arith.constant 1 : i32
    %dma_wait3A_1054 = arith.constant 0 : i32
    %dma_wait3A_1055 = arith.constant 0 : i32
    %dma_wait3A_1056 = tpu.memref_slice %arg3[%add3A_889, %dma_wait3A_1054, %dma_wait3A_1055] : memref<384x224x224xf32, #tpu.memory_space<hbm>> -> memref<1x224x224xf32, #tpu.memory_space<hbm>>
    %dma_wait3A_1057 = tpu.memref_squeeze %dma_wait3A_1056 : memref<1x224x224xf32, #tpu.memory_space<hbm>> -> memref<224x224xf32, #tpu.memory_space<hbm>>
    %dma_wait3A_1058 = arith.constant 0 : i32
    %dma_wait3A_1059 = arith.constant 0 : i32
    %dma_wait3A_1060 = tpu.memref_slice %arg4[%arg1, %dma_wait3A_1053, %dma_wait3A_1058, %dma_wait3A_1059] : memref<16x2x224x224xf32, #tpu.memory_space<vmem_shared>> -> memref<1x1x224x224xf32, #tpu.memory_space<vmem_shared>>
    %dma_wait3A_1061 = tpu.memref_squeeze %dma_wait3A_1060 : memref<1x1x224x224xf32, #tpu.memory_space<vmem_shared>> -> memref<224x224xf32, #tpu.memory_space<vmem_shared>>
    tpu.wait_dma2 semaphore(%arg7 : memref<!tpu.dma_semaphore, #tpu.memory_space<semaphore_mem>>) src(%dma_wait3A_1061 : memref<224x224xf32, #tpu.memory_space<vmem_shared>>) dst(%dma_wait3A_1057 : memref<224x224xf32, #tpu.memory_space<hbm>>)
    %add3A_1062 = arith.constant 7 : i32
    %add3A_1063 = arith.addi %mul3A_2, %add3A_1062 : i32
    %jit3A_1064 = arith.constant 16 : i32
    %div3A_1065 = arith.divsi %add3A_1063, %jit3A_1064 : i32
    %sign3A_1066 = arith.constant 0 : i32
    %sign3A_1067 = arith.cmpi sgt, %add3A_1063, %sign3A_1066 : i32
    %sign3A_1068 = arith.extui %sign3A_1067 : i1 to i32
    %sign3A_1069 = arith.constant 0 : i32
    %sign3A_1070 = arith.cmpi slt, %add3A_1063, %sign3A_1069 : i32
    %sign3A_1071 = arith.extui %sign3A_1070 : i1 to i32
    %sign3A_1072 = arith.subi %sign3A_1068, %sign3A_1071 : i32
    %sign3A_1073 = arith.constant 0 : i32
    %sign3A_1074 = arith.cmpi sgt, %jit3A_1064, %sign3A_1073 : i32
    %sign3A_1075 = arith.extui %sign3A_1074 : i1 to i32
    %sign3A_1076 = arith.constant 0 : i32
    %sign3A_1077 = arith.cmpi slt, %jit3A_1064, %sign3A_1076 : i32
    %sign3A_1078 = arith.extui %sign3A_1077 : i1 to i32
    %sign3A_1079 = arith.subi %sign3A_1075, %sign3A_1078 : i32
    %ne3A_1080 = arith.cmpi ne, %sign3A_1072, %sign3A_1079 : i32
    %rem3A_1081 = arith.remsi %add3A_1063, %jit3A_1064 : i32
    %ne3A_1082 = arith.constant 0 : i32
    %ne3A_1083 = arith.cmpi ne, %rem3A_1081, %ne3A_1082 : i32
    %and3A_1084 = arith.andi %ne3A_1080, %ne3A_1083 : i1
    %sub3A_1085 = arith.constant 1 : i32
    %sub3A_1086 = arith.subi %div3A_1065, %sub3A_1085 : i32
    %select_n3A_1087 = arith.select %and3A_1084, %sub3A_1086, %div3A_1065 : i32
    %mul3A_1088 = arith.constant 16 : i32
    %mul3A_1089 = arith.muli %select_n3A_1087, %mul3A_1088 : i32
    %sub3A_1090 = arith.subi %add3A_1063, %mul3A_1089 : i32
    %mul3A_1091 = arith.constant 64 : i32
    %mul3A_1092 = arith.muli %select_n3A_1087, %mul3A_1091 : i32
    %mul3A_1093 = arith.constant 63 : i32
    %mul3A_1094 = arith.muli %sub3A_1090, %mul3A_1093 : i32
    %jit3A_1095 = arith.constant 15 : i32
    %div3A_1096 = arith.divsi %mul3A_1094, %jit3A_1095 : i32
    %sign3A_1097 = arith.constant 0 : i32
    %sign3A_1098 = arith.cmpi sgt, %mul3A_1094, %sign3A_1097 : i32
    %sign3A_1099 = arith.extui %sign3A_1098 : i1 to i32
    %sign3A_1100 = arith.constant 0 : i32
    %sign3A_1101 = arith.cmpi slt, %mul3A_1094, %sign3A_1100 : i32
    %sign3A_1102 = arith.extui %sign3A_1101 : i1 to i32
    %sign3A_1103 = arith.subi %sign3A_1099, %sign3A_1102 : i32
    %sign3A_1104 = arith.constant 0 : i32
    %sign3A_1105 = arith.cmpi sgt, %jit3A_1095, %sign3A_1104 : i32
    %sign3A_1106 = arith.extui %sign3A_1105 : i1 to i32
    %sign3A_1107 = arith.constant 0 : i32
    %sign3A_1108 = arith.cmpi slt, %jit3A_1095, %sign3A_1107 : i32
    %sign3A_1109 = arith.extui %sign3A_1108 : i1 to i32
    %sign3A_1110 = arith.subi %sign3A_1106, %sign3A_1109 : i32
    %ne3A_1111 = arith.cmpi ne, %sign3A_1103, %sign3A_1110 : i32
    %rem3A_1112 = arith.remsi %mul3A_1094, %jit3A_1095 : i32
    %ne3A_1113 = arith.constant 0 : i32
    %ne3A_1114 = arith.cmpi ne, %rem3A_1112, %ne3A_1113 : i32
    %and3A_1115 = arith.andi %ne3A_1111, %ne3A_1114 : i1
    %sub3A_1116 = arith.constant 1 : i32
    %sub3A_1117 = arith.subi %div3A_1096, %sub3A_1116 : i32
    %select_n3A_1118 = arith.select %and3A_1115, %sub3A_1117, %div3A_1096 : i32
    %add3A_1119 = arith.addi %mul3A_1092, %select_n3A_1118 : i32
    %dma_start3A_1120 = arith.constant 1 : i32
    %dma_start3A_1121 = arith.constant 0 : i32
    %dma_start3A_1122 = arith.constant 0 : i32
    %dma_start3A_1123 = tpu.memref_slice %arg4[%arg1, %dma_start3A_1120, %dma_start3A_1121, %dma_start3A_1122] : memref<16x2x224x224xf32, #tpu.memory_space<vmem_shared>> -> memref<1x1x224x224xf32, #tpu.memory_space<vmem_shared>>
    %dma_start3A_1124 = tpu.memref_squeeze %dma_start3A_1123 : memref<1x1x224x224xf32, #tpu.memory_space<vmem_shared>> -> memref<224x224xf32, #tpu.memory_space<vmem_shared>>
    %dma_start3A_1125 = arith.constant 0 : i32
    %dma_start3A_1126 = arith.constant 0 : i32
    %dma_start3A_1127 = tpu.memref_slice %arg2[%add3A_1119, %dma_start3A_1125, %dma_start3A_1126] : memref<1536x224x224xf32, #tpu.memory_space<hbm>> -> memref<1x224x224xf32, #tpu.memory_space<hbm>>
    %dma_start3A_1128 = tpu.memref_squeeze %dma_start3A_1127 : memref<1x224x224xf32, #tpu.memory_space<hbm>> -> memref<224x224xf32, #tpu.memory_space<hbm>>
    tpu.enqueue_dma source(%dma_start3A_1128 : memref<224x224xf32, #tpu.memory_space<hbm>>) target(%dma_start3A_1124 : memref<224x224xf32, #tpu.memory_space<vmem_shared>>) target_semaphore(%arg5 : memref<!tpu.dma_semaphore, #tpu.memory_space<semaphore_mem>>)
    %add3A_1129 = arith.constant 7 : i32
    %add3A_1130 = arith.addi %mul3A_2, %add3A_1129 : i32
    %jit3A_1131 = arith.constant 16 : i32
    %div3A_1132 = arith.divsi %add3A_1130, %jit3A_1131 : i32
    %sign3A_1133 = arith.constant 0 : i32
    %sign3A_1134 = arith.cmpi sgt, %add3A_1130, %sign3A_1133 : i32
    %sign3A_1135 = arith.extui %sign3A_1134 : i1 to i32
    %sign3A_1136 = arith.constant 0 : i32
    %sign3A_1137 = arith.cmpi slt, %add3A_1130, %sign3A_1136 : i32
    %sign3A_1138 = arith.extui %sign3A_1137 : i1 to i32
    %sign3A_1139 = arith.subi %sign3A_1135, %sign3A_1138 : i32
    %sign3A_1140 = arith.constant 0 : i32
    %sign3A_1141 = arith.cmpi sgt, %jit3A_1131, %sign3A_1140 : i32
    %sign3A_1142 = arith.extui %sign3A_1141 : i1 to i32
    %sign3A_1143 = arith.constant 0 : i32
    %sign3A_1144 = arith.cmpi slt, %jit3A_1131, %sign3A_1143 : i32
    %sign3A_1145 = arith.extui %sign3A_1144 : i1 to i32
    %sign3A_1146 = arith.subi %sign3A_1142, %sign3A_1145 : i32
    %ne3A_1147 = arith.cmpi ne, %sign3A_1139, %sign3A_1146 : i32
    %rem3A_1148 = arith.remsi %add3A_1130, %jit3A_1131 : i32
    %ne3A_1149 = arith.constant 0 : i32
    %ne3A_1150 = arith.cmpi ne, %rem3A_1148, %ne3A_1149 : i32
    %and3A_1151 = arith.andi %ne3A_1147, %ne3A_1150 : i1
    %sub3A_1152 = arith.constant 1 : i32
    %sub3A_1153 = arith.subi %div3A_1132, %sub3A_1152 : i32
    %select_n3A_1154 = arith.select %and3A_1151, %sub3A_1153, %div3A_1132 : i32
    %mul3A_1155 = arith.constant 16 : i32
    %mul3A_1156 = arith.muli %select_n3A_1154, %mul3A_1155 : i32
    %sub3A_1157 = arith.subi %add3A_1130, %mul3A_1156 : i32
    %mul3A_1158 = arith.constant 64 : i32
    %mul3A_1159 = arith.muli %select_n3A_1154, %mul3A_1158 : i32
    %mul3A_1160 = arith.constant 63 : i32
    %mul3A_1161 = arith.muli %sub3A_1157, %mul3A_1160 : i32
    %jit3A_1162 = arith.constant 15 : i32
    %div3A_1163 = arith.divsi %mul3A_1161, %jit3A_1162 : i32
    %sign3A_1164 = arith.constant 0 : i32
    %sign3A_1165 = arith.cmpi sgt, %mul3A_1161, %sign3A_1164 : i32
    %sign3A_1166 = arith.extui %sign3A_1165 : i1 to i32
    %sign3A_1167 = arith.constant 0 : i32
    %sign3A_1168 = arith.cmpi slt, %mul3A_1161, %sign3A_1167 : i32
    %sign3A_1169 = arith.extui %sign3A_1168 : i1 to i32
    %sign3A_1170 = arith.subi %sign3A_1166, %sign3A_1169 : i32
    %sign3A_1171 = arith.constant 0 : i32
    %sign3A_1172 = arith.cmpi sgt, %jit3A_1162, %sign3A_1171 : i32
    %sign3A_1173 = arith.extui %sign3A_1172 : i1 to i32
    %sign3A_1174 = arith.constant 0 : i32
    %sign3A_1175 = arith.cmpi slt, %jit3A_1162, %sign3A_1174 : i32
    %sign3A_1176 = arith.extui %sign3A_1175 : i1 to i32
    %sign3A_1177 = arith.subi %sign3A_1173, %sign3A_1176 : i32
    %ne3A_1178 = arith.cmpi ne, %sign3A_1170, %sign3A_1177 : i32
    %rem3A_1179 = arith.remsi %mul3A_1161, %jit3A_1162 : i32
    %ne3A_1180 = arith.constant 0 : i32
    %ne3A_1181 = arith.cmpi ne, %rem3A_1179, %ne3A_1180 : i32
    %and3A_1182 = arith.andi %ne3A_1178, %ne3A_1181 : i1
    %sub3A_1183 = arith.constant 1 : i32
    %sub3A_1184 = arith.subi %div3A_1163, %sub3A_1183 : i32
    %select_n3A_1185 = arith.select %and3A_1182, %sub3A_1184, %div3A_1163 : i32
    %add3A_1186 = arith.addi %mul3A_1159, %select_n3A_1185 : i32
    %dma_wait3A_1187 = arith.constant 1 : i32
    %dma_wait3A_1188 = arith.constant 0 : i32
    %dma_wait3A_1189 = arith.constant 0 : i32
    %dma_wait3A_1190 = tpu.memref_slice %arg4[%arg1, %dma_wait3A_1187, %dma_wait3A_1188, %dma_wait3A_1189] : memref<16x2x224x224xf32, #tpu.memory_space<vmem_shared>> -> memref<1x1x224x224xf32, #tpu.memory_space<vmem_shared>>
    %dma_wait3A_1191 = tpu.memref_squeeze %dma_wait3A_1190 : memref<1x1x224x224xf32, #tpu.memory_space<vmem_shared>> -> memref<224x224xf32, #tpu.memory_space<vmem_shared>>
    %dma_wait3A_1192 = arith.constant 0 : i32
    %dma_wait3A_1193 = arith.constant 0 : i32
    %dma_wait3A_1194 = tpu.memref_slice %arg2[%add3A_1186, %dma_wait3A_1192, %dma_wait3A_1193] : memref<1536x224x224xf32, #tpu.memory_space<hbm>> -> memref<1x224x224xf32, #tpu.memory_space<hbm>>
    %dma_wait3A_1195 = tpu.memref_squeeze %dma_wait3A_1194 : memref<1x224x224xf32, #tpu.memory_space<hbm>> -> memref<224x224xf32, #tpu.memory_space<hbm>>
    tpu.wait_dma2 semaphore(%arg5 : memref<!tpu.dma_semaphore, #tpu.memory_space<semaphore_mem>>) src(%dma_wait3A_1195 : memref<224x224xf32, #tpu.memory_space<hbm>>) dst(%dma_wait3A_1191 : memref<224x224xf32, #tpu.memory_space<vmem_shared>>)
    %add3A_1196 = arith.constant 7 : i32
    %add3A_1197 = arith.addi %mul3A_2, %add3A_1196 : i32
    %dma_start3A_1198 = arith.constant 1 : i32
    %dma_start3A_1199 = arith.constant 0 : i32
    %dma_start3A_1200 = arith.constant 0 : i32
    %dma_start3A_1201 = tpu.memref_slice %arg3[%add3A_1197, %dma_start3A_1199, %dma_start3A_1200] : memref<384x224x224xf32, #tpu.memory_space<hbm>> -> memref<1x224x224xf32, #tpu.memory_space<hbm>>
    %dma_start3A_1202 = tpu.memref_squeeze %dma_start3A_1201 : memref<1x224x224xf32, #tpu.memory_space<hbm>> -> memref<224x224xf32, #tpu.memory_space<hbm>>
    %dma_start3A_1203 = arith.constant 0 : i32
    %dma_start3A_1204 = arith.constant 0 : i32
    %dma_start3A_1205 = tpu.memref_slice %arg4[%arg1, %dma_start3A_1198, %dma_start3A_1203, %dma_start3A_1204] : memref<16x2x224x224xf32, #tpu.memory_space<vmem_shared>> -> memref<1x1x224x224xf32, #tpu.memory_space<vmem_shared>>
    %dma_start3A_1206 = tpu.memref_squeeze %dma_start3A_1205 : memref<1x1x224x224xf32, #tpu.memory_space<vmem_shared>> -> memref<224x224xf32, #tpu.memory_space<vmem_shared>>
    tpu.enqueue_dma source(%dma_start3A_1206 : memref<224x224xf32, #tpu.memory_space<vmem_shared>>) target(%dma_start3A_1202 : memref<224x224xf32, #tpu.memory_space<hbm>>) target_semaphore(%arg7 : memref<!tpu.dma_semaphore, #tpu.memory_space<semaphore_mem>>)
    %dma_wait3A_1207 = arith.constant 0 : i32
    %dma_wait3A_1208 = arith.constant 0 : i32
    %dma_wait3A_1209 = arith.constant 0 : i32
    %dma_wait3A_1210 = tpu.memref_slice %arg3[%add3A_1043, %dma_wait3A_1208, %dma_wait3A_1209] : memref<384x224x224xf32, #tpu.memory_space<hbm>> -> memref<1x224x224xf32, #tpu.memory_space<hbm>>
    %dma_wait3A_1211 = tpu.memref_squeeze %dma_wait3A_1210 : memref<1x224x224xf32, #tpu.memory_space<hbm>> -> memref<224x224xf32, #tpu.memory_space<hbm>>
    %dma_wait3A_1212 = arith.constant 0 : i32
    %dma_wait3A_1213 = arith.constant 0 : i32
    %dma_wait3A_1214 = tpu.memref_slice %arg4[%arg1, %dma_wait3A_1207, %dma_wait3A_1212, %dma_wait3A_1213] : memref<16x2x224x224xf32, #tpu.memory_space<vmem_shared>> -> memref<1x1x224x224xf32, #tpu.memory_space<vmem_shared>>
    %dma_wait3A_1215 = tpu.memref_squeeze %dma_wait3A_1214 : memref<1x1x224x224xf32, #tpu.memory_space<vmem_shared>> -> memref<224x224xf32, #tpu.memory_space<vmem_shared>>
    tpu.wait_dma2 semaphore(%arg6 : memref<!tpu.dma_semaphore, #tpu.memory_space<semaphore_mem>>) src(%dma_wait3A_1215 : memref<224x224xf32, #tpu.memory_space<vmem_shared>>) dst(%dma_wait3A_1211 : memref<224x224xf32, #tpu.memory_space<hbm>>)
    %add3A_1216 = arith.constant 8 : i32
    %add3A_1217 = arith.addi %mul3A_2, %add3A_1216 : i32
    %jit3A_1218 = arith.constant 16 : i32
    %div3A_1219 = arith.divsi %add3A_1217, %jit3A_1218 : i32
    %sign3A_1220 = arith.constant 0 : i32
    %sign3A_1221 = arith.cmpi sgt, %add3A_1217, %sign3A_1220 : i32
    %sign3A_1222 = arith.extui %sign3A_1221 : i1 to i32
    %sign3A_1223 = arith.constant 0 : i32
    %sign3A_1224 = arith.cmpi slt, %add3A_1217, %sign3A_1223 : i32
    %sign3A_1225 = arith.extui %sign3A_1224 : i1 to i32
    %sign3A_1226 = arith.subi %sign3A_1222, %sign3A_1225 : i32
    %sign3A_1227 = arith.constant 0 : i32
    %sign3A_1228 = arith.cmpi sgt, %jit3A_1218, %sign3A_1227 : i32
    %sign3A_1229 = arith.extui %sign3A_1228 : i1 to i32
    %sign3A_1230 = arith.constant 0 : i32
    %sign3A_1231 = arith.cmpi slt, %jit3A_1218, %sign3A_1230 : i32
    %sign3A_1232 = arith.extui %sign3A_1231 : i1 to i32
    %sign3A_1233 = arith.subi %sign3A_1229, %sign3A_1232 : i32
    %ne3A_1234 = arith.cmpi ne, %sign3A_1226, %sign3A_1233 : i32
    %rem3A_1235 = arith.remsi %add3A_1217, %jit3A_1218 : i32
    %ne3A_1236 = arith.constant 0 : i32
    %ne3A_1237 = arith.cmpi ne, %rem3A_1235, %ne3A_1236 : i32
    %and3A_1238 = arith.andi %ne3A_1234, %ne3A_1237 : i1
    %sub3A_1239 = arith.constant 1 : i32
    %sub3A_1240 = arith.subi %div3A_1219, %sub3A_1239 : i32
    %select_n3A_1241 = arith.select %and3A_1238, %sub3A_1240, %div3A_1219 : i32
    %mul3A_1242 = arith.constant 16 : i32
    %mul3A_1243 = arith.muli %select_n3A_1241, %mul3A_1242 : i32
    %sub3A_1244 = arith.subi %add3A_1217, %mul3A_1243 : i32
    %mul3A_1245 = arith.constant 64 : i32
    %mul3A_1246 = arith.muli %select_n3A_1241, %mul3A_1245 : i32
    %mul3A_1247 = arith.constant 63 : i32
    %mul3A_1248 = arith.muli %sub3A_1244, %mul3A_1247 : i32
    %jit3A_1249 = arith.constant 15 : i32
    %div3A_1250 = arith.divsi %mul3A_1248, %jit3A_1249 : i32
    %sign3A_1251 = arith.constant 0 : i32
    %sign3A_1252 = arith.cmpi sgt, %mul3A_1248, %sign3A_1251 : i32
    %sign3A_1253 = arith.extui %sign3A_1252 : i1 to i32
    %sign3A_1254 = arith.constant 0 : i32
    %sign3A_1255 = arith.cmpi slt, %mul3A_1248, %sign3A_1254 : i32
    %sign3A_1256 = arith.extui %sign3A_1255 : i1 to i32
    %sign3A_1257 = arith.subi %sign3A_1253, %sign3A_1256 : i32
    %sign3A_1258 = arith.constant 0 : i32
    %sign3A_1259 = arith.cmpi sgt, %jit3A_1249, %sign3A_1258 : i32
    %sign3A_1260 = arith.extui %sign3A_1259 : i1 to i32
    %sign3A_1261 = arith.constant 0 : i32
    %sign3A_1262 = arith.cmpi slt, %jit3A_1249, %sign3A_1261 : i32
    %sign3A_1263 = arith.extui %sign3A_1262 : i1 to i32
    %sign3A_1264 = arith.subi %sign3A_1260, %sign3A_1263 : i32
    %ne3A_1265 = arith.cmpi ne, %sign3A_1257, %sign3A_1264 : i32
    %rem3A_1266 = arith.remsi %mul3A_1248, %jit3A_1249 : i32
    %ne3A_1267 = arith.constant 0 : i32
    %ne3A_1268 = arith.cmpi ne, %rem3A_1266, %ne3A_1267 : i32
    %and3A_1269 = arith.andi %ne3A_1265, %ne3A_1268 : i1
    %sub3A_1270 = arith.constant 1 : i32
    %sub3A_1271 = arith.subi %div3A_1250, %sub3A_1270 : i32
    %select_n3A_1272 = arith.select %and3A_1269, %sub3A_1271, %div3A_1250 : i32
    %add3A_1273 = arith.addi %mul3A_1246, %select_n3A_1272 : i32
    %dma_start3A_1274 = arith.constant 0 : i32
    %dma_start3A_1275 = arith.constant 0 : i32
    %dma_start3A_1276 = arith.constant 0 : i32
    %dma_start3A_1277 = tpu.memref_slice %arg4[%arg1, %dma_start3A_1274, %dma_start3A_1275, %dma_start3A_1276] : memref<16x2x224x224xf32, #tpu.memory_space<vmem_shared>> -> memref<1x1x224x224xf32, #tpu.memory_space<vmem_shared>>
    %dma_start3A_1278 = tpu.memref_squeeze %dma_start3A_1277 : memref<1x1x224x224xf32, #tpu.memory_space<vmem_shared>> -> memref<224x224xf32, #tpu.memory_space<vmem_shared>>
    %dma_start3A_1279 = arith.constant 0 : i32
    %dma_start3A_1280 = arith.constant 0 : i32
    %dma_start3A_1281 = tpu.memref_slice %arg2[%add3A_1273, %dma_start3A_1279, %dma_start3A_1280] : memref<1536x224x224xf32, #tpu.memory_space<hbm>> -> memref<1x224x224xf32, #tpu.memory_space<hbm>>
    %dma_start3A_1282 = tpu.memref_squeeze %dma_start3A_1281 : memref<1x224x224xf32, #tpu.memory_space<hbm>> -> memref<224x224xf32, #tpu.memory_space<hbm>>
    tpu.enqueue_dma source(%dma_start3A_1282 : memref<224x224xf32, #tpu.memory_space<hbm>>) target(%dma_start3A_1278 : memref<224x224xf32, #tpu.memory_space<vmem_shared>>) target_semaphore(%arg5 : memref<!tpu.dma_semaphore, #tpu.memory_space<semaphore_mem>>)
    %add3A_1283 = arith.constant 8 : i32
    %add3A_1284 = arith.addi %mul3A_2, %add3A_1283 : i32
    %jit3A_1285 = arith.constant 16 : i32
    %div3A_1286 = arith.divsi %add3A_1284, %jit3A_1285 : i32
    %sign3A_1287 = arith.constant 0 : i32
    %sign3A_1288 = arith.cmpi sgt, %add3A_1284, %sign3A_1287 : i32
    %sign3A_1289 = arith.extui %sign3A_1288 : i1 to i32
    %sign3A_1290 = arith.constant 0 : i32
    %sign3A_1291 = arith.cmpi slt, %add3A_1284, %sign3A_1290 : i32
    %sign3A_1292 = arith.extui %sign3A_1291 : i1 to i32
    %sign3A_1293 = arith.subi %sign3A_1289, %sign3A_1292 : i32
    %sign3A_1294 = arith.constant 0 : i32
    %sign3A_1295 = arith.cmpi sgt, %jit3A_1285, %sign3A_1294 : i32
    %sign3A_1296 = arith.extui %sign3A_1295 : i1 to i32
    %sign3A_1297 = arith.constant 0 : i32
    %sign3A_1298 = arith.cmpi slt, %jit3A_1285, %sign3A_1297 : i32
    %sign3A_1299 = arith.extui %sign3A_1298 : i1 to i32
    %sign3A_1300 = arith.subi %sign3A_1296, %sign3A_1299 : i32
    %ne3A_1301 = arith.cmpi ne, %sign3A_1293, %sign3A_1300 : i32
    %rem3A_1302 = arith.remsi %add3A_1284, %jit3A_1285 : i32
    %ne3A_1303 = arith.constant 0 : i32
    %ne3A_1304 = arith.cmpi ne, %rem3A_1302, %ne3A_1303 : i32
    %and3A_1305 = arith.andi %ne3A_1301, %ne3A_1304 : i1
    %sub3A_1306 = arith.constant 1 : i32
    %sub3A_1307 = arith.subi %div3A_1286, %sub3A_1306 : i32
    %select_n3A_1308 = arith.select %and3A_1305, %sub3A_1307, %div3A_1286 : i32
    %mul3A_1309 = arith.constant 16 : i32
    %mul3A_1310 = arith.muli %select_n3A_1308, %mul3A_1309 : i32
    %sub3A_1311 = arith.subi %add3A_1284, %mul3A_1310 : i32
    %mul3A_1312 = arith.constant 64 : i32
    %mul3A_1313 = arith.muli %select_n3A_1308, %mul3A_1312 : i32
    %mul3A_1314 = arith.constant 63 : i32
    %mul3A_1315 = arith.muli %sub3A_1311, %mul3A_1314 : i32
    %jit3A_1316 = arith.constant 15 : i32
    %div3A_1317 = arith.divsi %mul3A_1315, %jit3A_1316 : i32
    %sign3A_1318 = arith.constant 0 : i32
    %sign3A_1319 = arith.cmpi sgt, %mul3A_1315, %sign3A_1318 : i32
    %sign3A_1320 = arith.extui %sign3A_1319 : i1 to i32
    %sign3A_1321 = arith.constant 0 : i32
    %sign3A_1322 = arith.cmpi slt, %mul3A_1315, %sign3A_1321 : i32
    %sign3A_1323 = arith.extui %sign3A_1322 : i1 to i32
    %sign3A_1324 = arith.subi %sign3A_1320, %sign3A_1323 : i32
    %sign3A_1325 = arith.constant 0 : i32
    %sign3A_1326 = arith.cmpi sgt, %jit3A_1316, %sign3A_1325 : i32
    %sign3A_1327 = arith.extui %sign3A_1326 : i1 to i32
    %sign3A_1328 = arith.constant 0 : i32
    %sign3A_1329 = arith.cmpi slt, %jit3A_1316, %sign3A_1328 : i32
    %sign3A_1330 = arith.extui %sign3A_1329 : i1 to i32
    %sign3A_1331 = arith.subi %sign3A_1327, %sign3A_1330 : i32
    %ne3A_1332 = arith.cmpi ne, %sign3A_1324, %sign3A_1331 : i32
    %rem3A_1333 = arith.remsi %mul3A_1315, %jit3A_1316 : i32
    %ne3A_1334 = arith.constant 0 : i32
    %ne3A_1335 = arith.cmpi ne, %rem3A_1333, %ne3A_1334 : i32
    %and3A_1336 = arith.andi %ne3A_1332, %ne3A_1335 : i1
    %sub3A_1337 = arith.constant 1 : i32
    %sub3A_1338 = arith.subi %div3A_1317, %sub3A_1337 : i32
    %select_n3A_1339 = arith.select %and3A_1336, %sub3A_1338, %div3A_1317 : i32
    %add3A_1340 = arith.addi %mul3A_1313, %select_n3A_1339 : i32
    %dma_wait3A_1341 = arith.constant 0 : i32
    %dma_wait3A_1342 = arith.constant 0 : i32
    %dma_wait3A_1343 = arith.constant 0 : i32
    %dma_wait3A_1344 = tpu.memref_slice %arg4[%arg1, %dma_wait3A_1341, %dma_wait3A_1342, %dma_wait3A_1343] : memref<16x2x224x224xf32, #tpu.memory_space<vmem_shared>> -> memref<1x1x224x224xf32, #tpu.memory_space<vmem_shared>>
    %dma_wait3A_1345 = tpu.memref_squeeze %dma_wait3A_1344 : memref<1x1x224x224xf32, #tpu.memory_space<vmem_shared>> -> memref<224x224xf32, #tpu.memory_space<vmem_shared>>
    %dma_wait3A_1346 = arith.constant 0 : i32
    %dma_wait3A_1347 = arith.constant 0 : i32
    %dma_wait3A_1348 = tpu.memref_slice %arg2[%add3A_1340, %dma_wait3A_1346, %dma_wait3A_1347] : memref<1536x224x224xf32, #tpu.memory_space<hbm>> -> memref<1x224x224xf32, #tpu.memory_space<hbm>>
    %dma_wait3A_1349 = tpu.memref_squeeze %dma_wait3A_1348 : memref<1x224x224xf32, #tpu.memory_space<hbm>> -> memref<224x224xf32, #tpu.memory_space<hbm>>
    tpu.wait_dma2 semaphore(%arg5 : memref<!tpu.dma_semaphore, #tpu.memory_space<semaphore_mem>>) src(%dma_wait3A_1349 : memref<224x224xf32, #tpu.memory_space<hbm>>) dst(%dma_wait3A_1345 : memref<224x224xf32, #tpu.memory_space<vmem_shared>>)
    %add3A_1350 = arith.constant 8 : i32
    %add3A_1351 = arith.addi %mul3A_2, %add3A_1350 : i32
    %dma_start3A_1352 = arith.constant 0 : i32
    %dma_start3A_1353 = arith.constant 0 : i32
    %dma_start3A_1354 = arith.constant 0 : i32
    %dma_start3A_1355 = tpu.memref_slice %arg3[%add3A_1351, %dma_start3A_1353, %dma_start3A_1354] : memref<384x224x224xf32, #tpu.memory_space<hbm>> -> memref<1x224x224xf32, #tpu.memory_space<hbm>>
    %dma_start3A_1356 = tpu.memref_squeeze %dma_start3A_1355 : memref<1x224x224xf32, #tpu.memory_space<hbm>> -> memref<224x224xf32, #tpu.memory_space<hbm>>
    %dma_start3A_1357 = arith.constant 0 : i32
    %dma_start3A_1358 = arith.constant 0 : i32
    %dma_start3A_1359 = tpu.memref_slice %arg4[%arg1, %dma_start3A_1352, %dma_start3A_1357, %dma_start3A_1358] : memref<16x2x224x224xf32, #tpu.memory_space<vmem_shared>> -> memref<1x1x224x224xf32, #tpu.memory_space<vmem_shared>>
    %dma_start3A_1360 = tpu.memref_squeeze %dma_start3A_1359 : memref<1x1x224x224xf32, #tpu.memory_space<vmem_shared>> -> memref<224x224xf32, #tpu.memory_space<vmem_shared>>
    tpu.enqueue_dma source(%dma_start3A_1360 : memref<224x224xf32, #tpu.memory_space<vmem_shared>>) target(%dma_start3A_1356 : memref<224x224xf32, #tpu.memory_space<hbm>>) target_semaphore(%arg6 : memref<!tpu.dma_semaphore, #tpu.memory_space<semaphore_mem>>)
    %dma_wait3A_1361 = arith.constant 1 : i32
    %dma_wait3A_1362 = arith.constant 0 : i32
    %dma_wait3A_1363 = arith.constant 0 : i32
    %dma_wait3A_1364 = tpu.memref_slice %arg3[%add3A_1197, %dma_wait3A_1362, %dma_wait3A_1363] : memref<384x224x224xf32, #tpu.memory_space<hbm>> -> memref<1x224x224xf32, #tpu.memory_space<hbm>>
    %dma_wait3A_1365 = tpu.memref_squeeze %dma_wait3A_1364 : memref<1x224x224xf32, #tpu.memory_space<hbm>> -> memref<224x224xf32, #tpu.memory_space<hbm>>
    %dma_wait3A_1366 = arith.constant 0 : i32
    %dma_wait3A_1367 = arith.constant 0 : i32
    %dma_wait3A_1368 = tpu.memref_slice %arg4[%arg1, %dma_wait3A_1361, %dma_wait3A_1366, %dma_wait3A_1367] : memref<16x2x224x224xf32, #tpu.memory_space<vmem_shared>> -> memref<1x1x224x224xf32, #tpu.memory_space<vmem_shared>>
    %dma_wait3A_1369 = tpu.memref_squeeze %dma_wait3A_1368 : memref<1x1x224x224xf32, #tpu.memory_space<vmem_shared>> -> memref<224x224xf32, #tpu.memory_space<vmem_shared>>
    tpu.wait_dma2 semaphore(%arg7 : memref<!tpu.dma_semaphore, #tpu.memory_space<semaphore_mem>>) src(%dma_wait3A_1369 : memref<224x224xf32, #tpu.memory_space<vmem_shared>>) dst(%dma_wait3A_1365 : memref<224x224xf32, #tpu.memory_space<hbm>>)
    %add3A_1370 = arith.constant 9 : i32
    %add3A_1371 = arith.addi %mul3A_2, %add3A_1370 : i32
    %jit3A_1372 = arith.constant 16 : i32
    %div3A_1373 = arith.divsi %add3A_1371, %jit3A_1372 : i32
    %sign3A_1374 = arith.constant 0 : i32
    %sign3A_1375 = arith.cmpi sgt, %add3A_1371, %sign3A_1374 : i32
    %sign3A_1376 = arith.extui %sign3A_1375 : i1 to i32
    %sign3A_1377 = arith.constant 0 : i32
    %sign3A_1378 = arith.cmpi slt, %add3A_1371, %sign3A_1377 : i32
    %sign3A_1379 = arith.extui %sign3A_1378 : i1 to i32
    %sign3A_1380 = arith.subi %sign3A_1376, %sign3A_1379 : i32
    %sign3A_1381 = arith.constant 0 : i32
    %sign3A_1382 = arith.cmpi sgt, %jit3A_1372, %sign3A_1381 : i32
    %sign3A_1383 = arith.extui %sign3A_1382 : i1 to i32
    %sign3A_1384 = arith.constant 0 : i32
    %sign3A_1385 = arith.cmpi slt, %jit3A_1372, %sign3A_1384 : i32
    %sign3A_1386 = arith.extui %sign3A_1385 : i1 to i32
    %sign3A_1387 = arith.subi %sign3A_1383, %sign3A_1386 : i32
    %ne3A_1388 = arith.cmpi ne, %sign3A_1380, %sign3A_1387 : i32
    %rem3A_1389 = arith.remsi %add3A_1371, %jit3A_1372 : i32
    %ne3A_1390 = arith.constant 0 : i32
    %ne3A_1391 = arith.cmpi ne, %rem3A_1389, %ne3A_1390 : i32
    %and3A_1392 = arith.andi %ne3A_1388, %ne3A_1391 : i1
    %sub3A_1393 = arith.constant 1 : i32
    %sub3A_1394 = arith.subi %div3A_1373, %sub3A_1393 : i32
    %select_n3A_1395 = arith.select %and3A_1392, %sub3A_1394, %div3A_1373 : i32
    %mul3A_1396 = arith.constant 16 : i32
    %mul3A_1397 = arith.muli %select_n3A_1395, %mul3A_1396 : i32
    %sub3A_1398 = arith.subi %add3A_1371, %mul3A_1397 : i32
    %mul3A_1399 = arith.constant 64 : i32
    %mul3A_1400 = arith.muli %select_n3A_1395, %mul3A_1399 : i32
    %mul3A_1401 = arith.constant 63 : i32
    %mul3A_1402 = arith.muli %sub3A_1398, %mul3A_1401 : i32
    %jit3A_1403 = arith.constant 15 : i32
    %div3A_1404 = arith.divsi %mul3A_1402, %jit3A_1403 : i32
    %sign3A_1405 = arith.constant 0 : i32
    %sign3A_1406 = arith.cmpi sgt, %mul3A_1402, %sign3A_1405 : i32
    %sign3A_1407 = arith.extui %sign3A_1406 : i1 to i32
    %sign3A_1408 = arith.constant 0 : i32
    %sign3A_1409 = arith.cmpi slt, %mul3A_1402, %sign3A_1408 : i32
    %sign3A_1410 = arith.extui %sign3A_1409 : i1 to i32
    %sign3A_1411 = arith.subi %sign3A_1407, %sign3A_1410 : i32
    %sign3A_1412 = arith.constant 0 : i32
    %sign3A_1413 = arith.cmpi sgt, %jit3A_1403, %sign3A_1412 : i32
    %sign3A_1414 = arith.extui %sign3A_1413 : i1 to i32
    %sign3A_1415 = arith.constant 0 : i32
    %sign3A_1416 = arith.cmpi slt, %jit3A_1403, %sign3A_1415 : i32
    %sign3A_1417 = arith.extui %sign3A_1416 : i1 to i32
    %sign3A_1418 = arith.subi %sign3A_1414, %sign3A_1417 : i32
    %ne3A_1419 = arith.cmpi ne, %sign3A_1411, %sign3A_1418 : i32
    %rem3A_1420 = arith.remsi %mul3A_1402, %jit3A_1403 : i32
    %ne3A_1421 = arith.constant 0 : i32
    %ne3A_1422 = arith.cmpi ne, %rem3A_1420, %ne3A_1421 : i32
    %and3A_1423 = arith.andi %ne3A_1419, %ne3A_1422 : i1
    %sub3A_1424 = arith.constant 1 : i32
    %sub3A_1425 = arith.subi %div3A_1404, %sub3A_1424 : i32
    %select_n3A_1426 = arith.select %and3A_1423, %sub3A_1425, %div3A_1404 : i32
    %add3A_1427 = arith.addi %mul3A_1400, %select_n3A_1426 : i32
    %dma_start3A_1428 = arith.constant 1 : i32
    %dma_start3A_1429 = arith.constant 0 : i32
    %dma_start3A_1430 = arith.constant 0 : i32
    %dma_start3A_1431 = tpu.memref_slice %arg4[%arg1, %dma_start3A_1428, %dma_start3A_1429, %dma_start3A_1430] : memref<16x2x224x224xf32, #tpu.memory_space<vmem_shared>> -> memref<1x1x224x224xf32, #tpu.memory_space<vmem_shared>>
    %dma_start3A_1432 = tpu.memref_squeeze %dma_start3A_1431 : memref<1x1x224x224xf32, #tpu.memory_space<vmem_shared>> -> memref<224x224xf32, #tpu.memory_space<vmem_shared>>
    %dma_start3A_1433 = arith.constant 0 : i32
    %dma_start3A_1434 = arith.constant 0 : i32
    %dma_start3A_1435 = tpu.memref_slice %arg2[%add3A_1427, %dma_start3A_1433, %dma_start3A_1434] : memref<1536x224x224xf32, #tpu.memory_space<hbm>> -> memref<1x224x224xf32, #tpu.memory_space<hbm>>
    %dma_start3A_1436 = tpu.memref_squeeze %dma_start3A_1435 : memref<1x224x224xf32, #tpu.memory_space<hbm>> -> memref<224x224xf32, #tpu.memory_space<hbm>>
    tpu.enqueue_dma source(%dma_start3A_1436 : memref<224x224xf32, #tpu.memory_space<hbm>>) target(%dma_start3A_1432 : memref<224x224xf32, #tpu.memory_space<vmem_shared>>) target_semaphore(%arg5 : memref<!tpu.dma_semaphore, #tpu.memory_space<semaphore_mem>>)
    %add3A_1437 = arith.constant 9 : i32
    %add3A_1438 = arith.addi %mul3A_2, %add3A_1437 : i32
    %jit3A_1439 = arith.constant 16 : i32
    %div3A_1440 = arith.divsi %add3A_1438, %jit3A_1439 : i32
    %sign3A_1441 = arith.constant 0 : i32
    %sign3A_1442 = arith.cmpi sgt, %add3A_1438, %sign3A_1441 : i32
    %sign3A_1443 = arith.extui %sign3A_1442 : i1 to i32
    %sign3A_1444 = arith.constant 0 : i32
    %sign3A_1445 = arith.cmpi slt, %add3A_1438, %sign3A_1444 : i32
    %sign3A_1446 = arith.extui %sign3A_1445 : i1 to i32
    %sign3A_1447 = arith.subi %sign3A_1443, %sign3A_1446 : i32
    %sign3A_1448 = arith.constant 0 : i32
    %sign3A_1449 = arith.cmpi sgt, %jit3A_1439, %sign3A_1448 : i32
    %sign3A_1450 = arith.extui %sign3A_1449 : i1 to i32
    %sign3A_1451 = arith.constant 0 : i32
    %sign3A_1452 = arith.cmpi slt, %jit3A_1439, %sign3A_1451 : i32
    %sign3A_1453 = arith.extui %sign3A_1452 : i1 to i32
    %sign3A_1454 = arith.subi %sign3A_1450, %sign3A_1453 : i32
    %ne3A_1455 = arith.cmpi ne, %sign3A_1447, %sign3A_1454 : i32
    %rem3A_1456 = arith.remsi %add3A_1438, %jit3A_1439 : i32
    %ne3A_1457 = arith.constant 0 : i32
    %ne3A_1458 = arith.cmpi ne, %rem3A_1456, %ne3A_1457 : i32
    %and3A_1459 = arith.andi %ne3A_1455, %ne3A_1458 : i1
    %sub3A_1460 = arith.constant 1 : i32
    %sub3A_1461 = arith.subi %div3A_1440, %sub3A_1460 : i32
    %select_n3A_1462 = arith.select %and3A_1459, %sub3A_1461, %div3A_1440 : i32
    %mul3A_1463 = arith.constant 16 : i32
    %mul3A_1464 = arith.muli %select_n3A_1462, %mul3A_1463 : i32
    %sub3A_1465 = arith.subi %add3A_1438, %mul3A_1464 : i32
    %mul3A_1466 = arith.constant 64 : i32
    %mul3A_1467 = arith.muli %select_n3A_1462, %mul3A_1466 : i32
    %mul3A_1468 = arith.constant 63 : i32
    %mul3A_1469 = arith.muli %sub3A_1465, %mul3A_1468 : i32
    %jit3A_1470 = arith.constant 15 : i32
    %div3A_1471 = arith.divsi %mul3A_1469, %jit3A_1470 : i32
    %sign3A_1472 = arith.constant 0 : i32
    %sign3A_1473 = arith.cmpi sgt, %mul3A_1469, %sign3A_1472 : i32
    %sign3A_1474 = arith.extui %sign3A_1473 : i1 to i32
    %sign3A_1475 = arith.constant 0 : i32
    %sign3A_1476 = arith.cmpi slt, %mul3A_1469, %sign3A_1475 : i32
    %sign3A_1477 = arith.extui %sign3A_1476 : i1 to i32
    %sign3A_1478 = arith.subi %sign3A_1474, %sign3A_1477 : i32
    %sign3A_1479 = arith.constant 0 : i32
    %sign3A_1480 = arith.cmpi sgt, %jit3A_1470, %sign3A_1479 : i32
    %sign3A_1481 = arith.extui %sign3A_1480 : i1 to i32
    %sign3A_1482 = arith.constant 0 : i32
    %sign3A_1483 = arith.cmpi slt, %jit3A_1470, %sign3A_1482 : i32
    %sign3A_1484 = arith.extui %sign3A_1483 : i1 to i32
    %sign3A_1485 = arith.subi %sign3A_1481, %sign3A_1484 : i32
    %ne3A_1486 = arith.cmpi ne, %sign3A_1478, %sign3A_1485 : i32
    %rem3A_1487 = arith.remsi %mul3A_1469, %jit3A_1470 : i32
    %ne3A_1488 = arith.constant 0 : i32
    %ne3A_1489 = arith.cmpi ne, %rem3A_1487, %ne3A_1488 : i32
    %and3A_1490 = arith.andi %ne3A_1486, %ne3A_1489 : i1
    %sub3A_1491 = arith.constant 1 : i32
    %sub3A_1492 = arith.subi %div3A_1471, %sub3A_1491 : i32
    %select_n3A_1493 = arith.select %and3A_1490, %sub3A_1492, %div3A_1471 : i32
    %add3A_1494 = arith.addi %mul3A_1467, %select_n3A_1493 : i32
    %dma_wait3A_1495 = arith.constant 1 : i32
    %dma_wait3A_1496 = arith.constant 0 : i32
    %dma_wait3A_1497 = arith.constant 0 : i32
    %dma_wait3A_1498 = tpu.memref_slice %arg4[%arg1, %dma_wait3A_1495, %dma_wait3A_1496, %dma_wait3A_1497] : memref<16x2x224x224xf32, #tpu.memory_space<vmem_shared>> -> memref<1x1x224x224xf32, #tpu.memory_space<vmem_shared>>
    %dma_wait3A_1499 = tpu.memref_squeeze %dma_wait3A_1498 : memref<1x1x224x224xf32, #tpu.memory_space<vmem_shared>> -> memref<224x224xf32, #tpu.memory_space<vmem_shared>>
    %dma_wait3A_1500 = arith.constant 0 : i32
    %dma_wait3A_1501 = arith.constant 0 : i32
    %dma_wait3A_1502 = tpu.memref_slice %arg2[%add3A_1494, %dma_wait3A_1500, %dma_wait3A_1501] : memref<1536x224x224xf32, #tpu.memory_space<hbm>> -> memref<1x224x224xf32, #tpu.memory_space<hbm>>
    %dma_wait3A_1503 = tpu.memref_squeeze %dma_wait3A_1502 : memref<1x224x224xf32, #tpu.memory_space<hbm>> -> memref<224x224xf32, #tpu.memory_space<hbm>>
    tpu.wait_dma2 semaphore(%arg5 : memref<!tpu.dma_semaphore, #tpu.memory_space<semaphore_mem>>) src(%dma_wait3A_1503 : memref<224x224xf32, #tpu.memory_space<hbm>>) dst(%dma_wait3A_1499 : memref<224x224xf32, #tpu.memory_space<vmem_shared>>)
    %add3A_1504 = arith.constant 9 : i32
    %add3A_1505 = arith.addi %mul3A_2, %add3A_1504 : i32
    %dma_start3A_1506 = arith.constant 1 : i32
    %dma_start3A_1507 = arith.constant 0 : i32
    %dma_start3A_1508 = arith.constant 0 : i32
    %dma_start3A_1509 = tpu.memref_slice %arg3[%add3A_1505, %dma_start3A_1507, %dma_start3A_1508] : memref<384x224x224xf32, #tpu.memory_space<hbm>> -> memref<1x224x224xf32, #tpu.memory_space<hbm>>
    %dma_start3A_1510 = tpu.memref_squeeze %dma_start3A_1509 : memref<1x224x224xf32, #tpu.memory_space<hbm>> -> memref<224x224xf32, #tpu.memory_space<hbm>>
    %dma_start3A_1511 = arith.constant 0 : i32
    %dma_start3A_1512 = arith.constant 0 : i32
    %dma_start3A_1513 = tpu.memref_slice %arg4[%arg1, %dma_start3A_1506, %dma_start3A_1511, %dma_start3A_1512] : memref<16x2x224x224xf32, #tpu.memory_space<vmem_shared>> -> memref<1x1x224x224xf32, #tpu.memory_space<vmem_shared>>
    %dma_start3A_1514 = tpu.memref_squeeze %dma_start3A_1513 : memref<1x1x224x224xf32, #tpu.memory_space<vmem_shared>> -> memref<224x224xf32, #tpu.memory_space<vmem_shared>>
    tpu.enqueue_dma source(%dma_start3A_1514 : memref<224x224xf32, #tpu.memory_space<vmem_shared>>) target(%dma_start3A_1510 : memref<224x224xf32, #tpu.memory_space<hbm>>) target_semaphore(%arg7 : memref<!tpu.dma_semaphore, #tpu.memory_space<semaphore_mem>>)
    %dma_wait3A_1515 = arith.constant 0 : i32
    %dma_wait3A_1516 = arith.constant 0 : i32
    %dma_wait3A_1517 = arith.constant 0 : i32
    %dma_wait3A_1518 = tpu.memref_slice %arg3[%add3A_1351, %dma_wait3A_1516, %dma_wait3A_1517] : memref<384x224x224xf32, #tpu.memory_space<hbm>> -> memref<1x224x224xf32, #tpu.memory_space<hbm>>
    %dma_wait3A_1519 = tpu.memref_squeeze %dma_wait3A_1518 : memref<1x224x224xf32, #tpu.memory_space<hbm>> -> memref<224x224xf32, #tpu.memory_space<hbm>>
    %dma_wait3A_1520 = arith.constant 0 : i32
    %dma_wait3A_1521 = arith.constant 0 : i32
    %dma_wait3A_1522 = tpu.memref_slice %arg4[%arg1, %dma_wait3A_1515, %dma_wait3A_1520, %dma_wait3A_1521] : memref<16x2x224x224xf32, #tpu.memory_space<vmem_shared>> -> memref<1x1x224x224xf32, #tpu.memory_space<vmem_shared>>
    %dma_wait3A_1523 = tpu.memref_squeeze %dma_wait3A_1522 : memref<1x1x224x224xf32, #tpu.memory_space<vmem_shared>> -> memref<224x224xf32, #tpu.memory_space<vmem_shared>>
    tpu.wait_dma2 semaphore(%arg6 : memref<!tpu.dma_semaphore, #tpu.memory_space<semaphore_mem>>) src(%dma_wait3A_1523 : memref<224x224xf32, #tpu.memory_space<vmem_shared>>) dst(%dma_wait3A_1519 : memref<224x224xf32, #tpu.memory_space<hbm>>)
    %add3A_1524 = arith.constant 10 : i32
    %add3A_1525 = arith.addi %mul3A_2, %add3A_1524 : i32
    %jit3A_1526 = arith.constant 16 : i32
    %div3A_1527 = arith.divsi %add3A_1525, %jit3A_1526 : i32
    %sign3A_1528 = arith.constant 0 : i32
    %sign3A_1529 = arith.cmpi sgt, %add3A_1525, %sign3A_1528 : i32
    %sign3A_1530 = arith.extui %sign3A_1529 : i1 to i32
    %sign3A_1531 = arith.constant 0 : i32
    %sign3A_1532 = arith.cmpi slt, %add3A_1525, %sign3A_1531 : i32
    %sign3A_1533 = arith.extui %sign3A_1532 : i1 to i32
    %sign3A_1534 = arith.subi %sign3A_1530, %sign3A_1533 : i32
    %sign3A_1535 = arith.constant 0 : i32
    %sign3A_1536 = arith.cmpi sgt, %jit3A_1526, %sign3A_1535 : i32
    %sign3A_1537 = arith.extui %sign3A_1536 : i1 to i32
    %sign3A_1538 = arith.constant 0 : i32
    %sign3A_1539 = arith.cmpi slt, %jit3A_1526, %sign3A_1538 : i32
    %sign3A_1540 = arith.extui %sign3A_1539 : i1 to i32
    %sign3A_1541 = arith.subi %sign3A_1537, %sign3A_1540 : i32
    %ne3A_1542 = arith.cmpi ne, %sign3A_1534, %sign3A_1541 : i32
    %rem3A_1543 = arith.remsi %add3A_1525, %jit3A_1526 : i32
    %ne3A_1544 = arith.constant 0 : i32
    %ne3A_1545 = arith.cmpi ne, %rem3A_1543, %ne3A_1544 : i32
    %and3A_1546 = arith.andi %ne3A_1542, %ne3A_1545 : i1
    %sub3A_1547 = arith.constant 1 : i32
    %sub3A_1548 = arith.subi %div3A_1527, %sub3A_1547 : i32
    %select_n3A_1549 = arith.select %and3A_1546, %sub3A_1548, %div3A_1527 : i32
    %mul3A_1550 = arith.constant 16 : i32
    %mul3A_1551 = arith.muli %select_n3A_1549, %mul3A_1550 : i32
    %sub3A_1552 = arith.subi %add3A_1525, %mul3A_1551 : i32
    %mul3A_1553 = arith.constant 64 : i32
    %mul3A_1554 = arith.muli %select_n3A_1549, %mul3A_1553 : i32
    %mul3A_1555 = arith.constant 63 : i32
    %mul3A_1556 = arith.muli %sub3A_1552, %mul3A_1555 : i32
    %jit3A_1557 = arith.constant 15 : i32
    %div3A_1558 = arith.divsi %mul3A_1556, %jit3A_1557 : i32
    %sign3A_1559 = arith.constant 0 : i32
    %sign3A_1560 = arith.cmpi sgt, %mul3A_1556, %sign3A_1559 : i32
    %sign3A_1561 = arith.extui %sign3A_1560 : i1 to i32
    %sign3A_1562 = arith.constant 0 : i32
    %sign3A_1563 = arith.cmpi slt, %mul3A_1556, %sign3A_1562 : i32
    %sign3A_1564 = arith.extui %sign3A_1563 : i1 to i32
    %sign3A_1565 = arith.subi %sign3A_1561, %sign3A_1564 : i32
    %sign3A_1566 = arith.constant 0 : i32
    %sign3A_1567 = arith.cmpi sgt, %jit3A_1557, %sign3A_1566 : i32
    %sign3A_1568 = arith.extui %sign3A_1567 : i1 to i32
    %sign3A_1569 = arith.constant 0 : i32
    %sign3A_1570 = arith.cmpi slt, %jit3A_1557, %sign3A_1569 : i32
    %sign3A_1571 = arith.extui %sign3A_1570 : i1 to i32
    %sign3A_1572 = arith.subi %sign3A_1568, %sign3A_1571 : i32
    %ne3A_1573 = arith.cmpi ne, %sign3A_1565, %sign3A_1572 : i32
    %rem3A_1574 = arith.remsi %mul3A_1556, %jit3A_1557 : i32
    %ne3A_1575 = arith.constant 0 : i32
    %ne3A_1576 = arith.cmpi ne, %rem3A_1574, %ne3A_1575 : i32
    %and3A_1577 = arith.andi %ne3A_1573, %ne3A_1576 : i1
    %sub3A_1578 = arith.constant 1 : i32
    %sub3A_1579 = arith.subi %div3A_1558, %sub3A_1578 : i32
    %select_n3A_1580 = arith.select %and3A_1577, %sub3A_1579, %div3A_1558 : i32
    %add3A_1581 = arith.addi %mul3A_1554, %select_n3A_1580 : i32
    %dma_start3A_1582 = arith.constant 0 : i32
    %dma_start3A_1583 = arith.constant 0 : i32
    %dma_start3A_1584 = arith.constant 0 : i32
    %dma_start3A_1585 = tpu.memref_slice %arg4[%arg1, %dma_start3A_1582, %dma_start3A_1583, %dma_start3A_1584] : memref<16x2x224x224xf32, #tpu.memory_space<vmem_shared>> -> memref<1x1x224x224xf32, #tpu.memory_space<vmem_shared>>
    %dma_start3A_1586 = tpu.memref_squeeze %dma_start3A_1585 : memref<1x1x224x224xf32, #tpu.memory_space<vmem_shared>> -> memref<224x224xf32, #tpu.memory_space<vmem_shared>>
    %dma_start3A_1587 = arith.constant 0 : i32
    %dma_start3A_1588 = arith.constant 0 : i32
    %dma_start3A_1589 = tpu.memref_slice %arg2[%add3A_1581, %dma_start3A_1587, %dma_start3A_1588] : memref<1536x224x224xf32, #tpu.memory_space<hbm>> -> memref<1x224x224xf32, #tpu.memory_space<hbm>>
    %dma_start3A_1590 = tpu.memref_squeeze %dma_start3A_1589 : memref<1x224x224xf32, #tpu.memory_space<hbm>> -> memref<224x224xf32, #tpu.memory_space<hbm>>
    tpu.enqueue_dma source(%dma_start3A_1590 : memref<224x224xf32, #tpu.memory_space<hbm>>) target(%dma_start3A_1586 : memref<224x224xf32, #tpu.memory_space<vmem_shared>>) target_semaphore(%arg5 : memref<!tpu.dma_semaphore, #tpu.memory_space<semaphore_mem>>)
    %add3A_1591 = arith.constant 10 : i32
    %add3A_1592 = arith.addi %mul3A_2, %add3A_1591 : i32
    %jit3A_1593 = arith.constant 16 : i32
    %div3A_1594 = arith.divsi %add3A_1592, %jit3A_1593 : i32
    %sign3A_1595 = arith.constant 0 : i32
    %sign3A_1596 = arith.cmpi sgt, %add3A_1592, %sign3A_1595 : i32
    %sign3A_1597 = arith.extui %sign3A_1596 : i1 to i32
    %sign3A_1598 = arith.constant 0 : i32
    %sign3A_1599 = arith.cmpi slt, %add3A_1592, %sign3A_1598 : i32
    %sign3A_1600 = arith.extui %sign3A_1599 : i1 to i32
    %sign3A_1601 = arith.subi %sign3A_1597, %sign3A_1600 : i32
    %sign3A_1602 = arith.constant 0 : i32
    %sign3A_1603 = arith.cmpi sgt, %jit3A_1593, %sign3A_1602 : i32
    %sign3A_1604 = arith.extui %sign3A_1603 : i1 to i32
    %sign3A_1605 = arith.constant 0 : i32
    %sign3A_1606 = arith.cmpi slt, %jit3A_1593, %sign3A_1605 : i32
    %sign3A_1607 = arith.extui %sign3A_1606 : i1 to i32
    %sign3A_1608 = arith.subi %sign3A_1604, %sign3A_1607 : i32
    %ne3A_1609 = arith.cmpi ne, %sign3A_1601, %sign3A_1608 : i32
    %rem3A_1610 = arith.remsi %add3A_1592, %jit3A_1593 : i32
    %ne3A_1611 = arith.constant 0 : i32
    %ne3A_1612 = arith.cmpi ne, %rem3A_1610, %ne3A_1611 : i32
    %and3A_1613 = arith.andi %ne3A_1609, %ne3A_1612 : i1
    %sub3A_1614 = arith.constant 1 : i32
    %sub3A_1615 = arith.subi %div3A_1594, %sub3A_1614 : i32
    %select_n3A_1616 = arith.select %and3A_1613, %sub3A_1615, %div3A_1594 : i32
    %mul3A_1617 = arith.constant 16 : i32
    %mul3A_1618 = arith.muli %select_n3A_1616, %mul3A_1617 : i32
    %sub3A_1619 = arith.subi %add3A_1592, %mul3A_1618 : i32
    %mul3A_1620 = arith.constant 64 : i32
    %mul3A_1621 = arith.muli %select_n3A_1616, %mul3A_1620 : i32
    %mul3A_1622 = arith.constant 63 : i32
    %mul3A_1623 = arith.muli %sub3A_1619, %mul3A_1622 : i32
    %jit3A_1624 = arith.constant 15 : i32
    %div3A_1625 = arith.divsi %mul3A_1623, %jit3A_1624 : i32
    %sign3A_1626 = arith.constant 0 : i32
    %sign3A_1627 = arith.cmpi sgt, %mul3A_1623, %sign3A_1626 : i32
    %sign3A_1628 = arith.extui %sign3A_1627 : i1 to i32
    %sign3A_1629 = arith.constant 0 : i32
    %sign3A_1630 = arith.cmpi slt, %mul3A_1623, %sign3A_1629 : i32
    %sign3A_1631 = arith.extui %sign3A_1630 : i1 to i32
    %sign3A_1632 = arith.subi %sign3A_1628, %sign3A_1631 : i32
    %sign3A_1633 = arith.constant 0 : i32
    %sign3A_1634 = arith.cmpi sgt, %jit3A_1624, %sign3A_1633 : i32
    %sign3A_1635 = arith.extui %sign3A_1634 : i1 to i32
    %sign3A_1636 = arith.constant 0 : i32
    %sign3A_1637 = arith.cmpi slt, %jit3A_1624, %sign3A_1636 : i32
    %sign3A_1638 = arith.extui %sign3A_1637 : i1 to i32
    %sign3A_1639 = arith.subi %sign3A_1635, %sign3A_1638 : i32
    %ne3A_1640 = arith.cmpi ne, %sign3A_1632, %sign3A_1639 : i32
    %rem3A_1641 = arith.remsi %mul3A_1623, %jit3A_1624 : i32
    %ne3A_1642 = arith.constant 0 : i32
    %ne3A_1643 = arith.cmpi ne, %rem3A_1641, %ne3A_1642 : i32
    %and3A_1644 = arith.andi %ne3A_1640, %ne3A_1643 : i1
    %sub3A_1645 = arith.constant 1 : i32
    %sub3A_1646 = arith.subi %div3A_1625, %sub3A_1645 : i32
    %select_n3A_1647 = arith.select %and3A_1644, %sub3A_1646, %div3A_1625 : i32
    %add3A_1648 = arith.addi %mul3A_1621, %select_n3A_1647 : i32
    %dma_wait3A_1649 = arith.constant 0 : i32
    %dma_wait3A_1650 = arith.constant 0 : i32
    %dma_wait3A_1651 = arith.constant 0 : i32
    %dma_wait3A_1652 = tpu.memref_slice %arg4[%arg1, %dma_wait3A_1649, %dma_wait3A_1650, %dma_wait3A_1651] : memref<16x2x224x224xf32, #tpu.memory_space<vmem_shared>> -> memref<1x1x224x224xf32, #tpu.memory_space<vmem_shared>>
    %dma_wait3A_1653 = tpu.memref_squeeze %dma_wait3A_1652 : memref<1x1x224x224xf32, #tpu.memory_space<vmem_shared>> -> memref<224x224xf32, #tpu.memory_space<vmem_shared>>
    %dma_wait3A_1654 = arith.constant 0 : i32
    %dma_wait3A_1655 = arith.constant 0 : i32
    %dma_wait3A_1656 = tpu.memref_slice %arg2[%add3A_1648, %dma_wait3A_1654, %dma_wait3A_1655] : memref<1536x224x224xf32, #tpu.memory_space<hbm>> -> memref<1x224x224xf32, #tpu.memory_space<hbm>>
    %dma_wait3A_1657 = tpu.memref_squeeze %dma_wait3A_1656 : memref<1x224x224xf32, #tpu.memory_space<hbm>> -> memref<224x224xf32, #tpu.memory_space<hbm>>
    tpu.wait_dma2 semaphore(%arg5 : memref<!tpu.dma_semaphore, #tpu.memory_space<semaphore_mem>>) src(%dma_wait3A_1657 : memref<224x224xf32, #tpu.memory_space<hbm>>) dst(%dma_wait3A_1653 : memref<224x224xf32, #tpu.memory_space<vmem_shared>>)
    %add3A_1658 = arith.constant 10 : i32
    %add3A_1659 = arith.addi %mul3A_2, %add3A_1658 : i32
    %dma_start3A_1660 = arith.constant 0 : i32
    %dma_start3A_1661 = arith.constant 0 : i32
    %dma_start3A_1662 = arith.constant 0 : i32
    %dma_start3A_1663 = tpu.memref_slice %arg3[%add3A_1659, %dma_start3A_1661, %dma_start3A_1662] : memref<384x224x224xf32, #tpu.memory_space<hbm>> -> memref<1x224x224xf32, #tpu.memory_space<hbm>>
    %dma_start3A_1664 = tpu.memref_squeeze %dma_start3A_1663 : memref<1x224x224xf32, #tpu.memory_space<hbm>> -> memref<224x224xf32, #tpu.memory_space<hbm>>
    %dma_start3A_1665 = arith.constant 0 : i32
    %dma_start3A_1666 = arith.constant 0 : i32
    %dma_start3A_1667 = tpu.memref_slice %arg4[%arg1, %dma_start3A_1660, %dma_start3A_1665, %dma_start3A_1666] : memref<16x2x224x224xf32, #tpu.memory_space<vmem_shared>> -> memref<1x1x224x224xf32, #tpu.memory_space<vmem_shared>>
    %dma_start3A_1668 = tpu.memref_squeeze %dma_start3A_1667 : memref<1x1x224x224xf32, #tpu.memory_space<vmem_shared>> -> memref<224x224xf32, #tpu.memory_space<vmem_shared>>
    tpu.enqueue_dma source(%dma_start3A_1668 : memref<224x224xf32, #tpu.memory_space<vmem_shared>>) target(%dma_start3A_1664 : memref<224x224xf32, #tpu.memory_space<hbm>>) target_semaphore(%arg6 : memref<!tpu.dma_semaphore, #tpu.memory_space<semaphore_mem>>)
    %dma_wait3A_1669 = arith.constant 1 : i32
    %dma_wait3A_1670 = arith.constant 0 : i32
    %dma_wait3A_1671 = arith.constant 0 : i32
    %dma_wait3A_1672 = tpu.memref_slice %arg3[%add3A_1505, %dma_wait3A_1670, %dma_wait3A_1671] : memref<384x224x224xf32, #tpu.memory_space<hbm>> -> memref<1x224x224xf32, #tpu.memory_space<hbm>>
    %dma_wait3A_1673 = tpu.memref_squeeze %dma_wait3A_1672 : memref<1x224x224xf32, #tpu.memory_space<hbm>> -> memref<224x224xf32, #tpu.memory_space<hbm>>
    %dma_wait3A_1674 = arith.constant 0 : i32
    %dma_wait3A_1675 = arith.constant 0 : i32
    %dma_wait3A_1676 = tpu.memref_slice %arg4[%arg1, %dma_wait3A_1669, %dma_wait3A_1674, %dma_wait3A_1675] : memref<16x2x224x224xf32, #tpu.memory_space<vmem_shared>> -> memref<1x1x224x224xf32, #tpu.memory_space<vmem_shared>>
    %dma_wait3A_1677 = tpu.memref_squeeze %dma_wait3A_1676 : memref<1x1x224x224xf32, #tpu.memory_space<vmem_shared>> -> memref<224x224xf32, #tpu.memory_space<vmem_shared>>
    tpu.wait_dma2 semaphore(%arg7 : memref<!tpu.dma_semaphore, #tpu.memory_space<semaphore_mem>>) src(%dma_wait3A_1677 : memref<224x224xf32, #tpu.memory_space<vmem_shared>>) dst(%dma_wait3A_1673 : memref<224x224xf32, #tpu.memory_space<hbm>>)
    %add3A_1678 = arith.constant 11 : i32
    %add3A_1679 = arith.addi %mul3A_2, %add3A_1678 : i32
    %jit3A_1680 = arith.constant 16 : i32
    %div3A_1681 = arith.divsi %add3A_1679, %jit3A_1680 : i32
    %sign3A_1682 = arith.constant 0 : i32
    %sign3A_1683 = arith.cmpi sgt, %add3A_1679, %sign3A_1682 : i32
    %sign3A_1684 = arith.extui %sign3A_1683 : i1 to i32
    %sign3A_1685 = arith.constant 0 : i32
    %sign3A_1686 = arith.cmpi slt, %add3A_1679, %sign3A_1685 : i32
    %sign3A_1687 = arith.extui %sign3A_1686 : i1 to i32
    %sign3A_1688 = arith.subi %sign3A_1684, %sign3A_1687 : i32
    %sign3A_1689 = arith.constant 0 : i32
    %sign3A_1690 = arith.cmpi sgt, %jit3A_1680, %sign3A_1689 : i32
    %sign3A_1691 = arith.extui %sign3A_1690 : i1 to i32
    %sign3A_1692 = arith.constant 0 : i32
    %sign3A_1693 = arith.cmpi slt, %jit3A_1680, %sign3A_1692 : i32
    %sign3A_1694 = arith.extui %sign3A_1693 : i1 to i32
    %sign3A_1695 = arith.subi %sign3A_1691, %sign3A_1694 : i32
    %ne3A_1696 = arith.cmpi ne, %sign3A_1688, %sign3A_1695 : i32
    %rem3A_1697 = arith.remsi %add3A_1679, %jit3A_1680 : i32
    %ne3A_1698 = arith.constant 0 : i32
    %ne3A_1699 = arith.cmpi ne, %rem3A_1697, %ne3A_1698 : i32
    %and3A_1700 = arith.andi %ne3A_1696, %ne3A_1699 : i1
    %sub3A_1701 = arith.constant 1 : i32
    %sub3A_1702 = arith.subi %div3A_1681, %sub3A_1701 : i32
    %select_n3A_1703 = arith.select %and3A_1700, %sub3A_1702, %div3A_1681 : i32
    %mul3A_1704 = arith.constant 16 : i32
    %mul3A_1705 = arith.muli %select_n3A_1703, %mul3A_1704 : i32
    %sub3A_1706 = arith.subi %add3A_1679, %mul3A_1705 : i32
    %mul3A_1707 = arith.constant 64 : i32
    %mul3A_1708 = arith.muli %select_n3A_1703, %mul3A_1707 : i32
    %mul3A_1709 = arith.constant 63 : i32
    %mul3A_1710 = arith.muli %sub3A_1706, %mul3A_1709 : i32
    %jit3A_1711 = arith.constant 15 : i32
    %div3A_1712 = arith.divsi %mul3A_1710, %jit3A_1711 : i32
    %sign3A_1713 = arith.constant 0 : i32
    %sign3A_1714 = arith.cmpi sgt, %mul3A_1710, %sign3A_1713 : i32
    %sign3A_1715 = arith.extui %sign3A_1714 : i1 to i32
    %sign3A_1716 = arith.constant 0 : i32
    %sign3A_1717 = arith.cmpi slt, %mul3A_1710, %sign3A_1716 : i32
    %sign3A_1718 = arith.extui %sign3A_1717 : i1 to i32
    %sign3A_1719 = arith.subi %sign3A_1715, %sign3A_1718 : i32
    %sign3A_1720 = arith.constant 0 : i32
    %sign3A_1721 = arith.cmpi sgt, %jit3A_1711, %sign3A_1720 : i32
    %sign3A_1722 = arith.extui %sign3A_1721 : i1 to i32
    %sign3A_1723 = arith.constant 0 : i32
    %sign3A_1724 = arith.cmpi slt, %jit3A_1711, %sign3A_1723 : i32
    %sign3A_1725 = arith.extui %sign3A_1724 : i1 to i32
    %sign3A_1726 = arith.subi %sign3A_1722, %sign3A_1725 : i32
    %ne3A_1727 = arith.cmpi ne, %sign3A_1719, %sign3A_1726 : i32
    %rem3A_1728 = arith.remsi %mul3A_1710, %jit3A_1711 : i32
    %ne3A_1729 = arith.constant 0 : i32
    %ne3A_1730 = arith.cmpi ne, %rem3A_1728, %ne3A_1729 : i32
    %and3A_1731 = arith.andi %ne3A_1727, %ne3A_1730 : i1
    %sub3A_1732 = arith.constant 1 : i32
    %sub3A_1733 = arith.subi %div3A_1712, %sub3A_1732 : i32
    %select_n3A_1734 = arith.select %and3A_1731, %sub3A_1733, %div3A_1712 : i32
    %add3A_1735 = arith.addi %mul3A_1708, %select_n3A_1734 : i32
    %dma_start3A_1736 = arith.constant 1 : i32
    %dma_start3A_1737 = arith.constant 0 : i32
    %dma_start3A_1738 = arith.constant 0 : i32
    %dma_start3A_1739 = tpu.memref_slice %arg4[%arg1, %dma_start3A_1736, %dma_start3A_1737, %dma_start3A_1738] : memref<16x2x224x224xf32, #tpu.memory_space<vmem_shared>> -> memref<1x1x224x224xf32, #tpu.memory_space<vmem_shared>>
    %dma_start3A_1740 = tpu.memref_squeeze %dma_start3A_1739 : memref<1x1x224x224xf32, #tpu.memory_space<vmem_shared>> -> memref<224x224xf32, #tpu.memory_space<vmem_shared>>
    %dma_start3A_1741 = arith.constant 0 : i32
    %dma_start3A_1742 = arith.constant 0 : i32
    %dma_start3A_1743 = tpu.memref_slice %arg2[%add3A_1735, %dma_start3A_1741, %dma_start3A_1742] : memref<1536x224x224xf32, #tpu.memory_space<hbm>> -> memref<1x224x224xf32, #tpu.memory_space<hbm>>
    %dma_start3A_1744 = tpu.memref_squeeze %dma_start3A_1743 : memref<1x224x224xf32, #tpu.memory_space<hbm>> -> memref<224x224xf32, #tpu.memory_space<hbm>>
    tpu.enqueue_dma source(%dma_start3A_1744 : memref<224x224xf32, #tpu.memory_space<hbm>>) target(%dma_start3A_1740 : memref<224x224xf32, #tpu.memory_space<vmem_shared>>) target_semaphore(%arg5 : memref<!tpu.dma_semaphore, #tpu.memory_space<semaphore_mem>>)
    %add3A_1745 = arith.constant 11 : i32
    %add3A_1746 = arith.addi %mul3A_2, %add3A_1745 : i32
    %jit3A_1747 = arith.constant 16 : i32
    %div3A_1748 = arith.divsi %add3A_1746, %jit3A_1747 : i32
    %sign3A_1749 = arith.constant 0 : i32
    %sign3A_1750 = arith.cmpi sgt, %add3A_1746, %sign3A_1749 : i32
    %sign3A_1751 = arith.extui %sign3A_1750 : i1 to i32
    %sign3A_1752 = arith.constant 0 : i32
    %sign3A_1753 = arith.cmpi slt, %add3A_1746, %sign3A_1752 : i32
    %sign3A_1754 = arith.extui %sign3A_1753 : i1 to i32
    %sign3A_1755 = arith.subi %sign3A_1751, %sign3A_1754 : i32
    %sign3A_1756 = arith.constant 0 : i32
    %sign3A_1757 = arith.cmpi sgt, %jit3A_1747, %sign3A_1756 : i32
    %sign3A_1758 = arith.extui %sign3A_1757 : i1 to i32
    %sign3A_1759 = arith.constant 0 : i32
    %sign3A_1760 = arith.cmpi slt, %jit3A_1747, %sign3A_1759 : i32
    %sign3A_1761 = arith.extui %sign3A_1760 : i1 to i32
    %sign3A_1762 = arith.subi %sign3A_1758, %sign3A_1761 : i32
    %ne3A_1763 = arith.cmpi ne, %sign3A_1755, %sign3A_1762 : i32
    %rem3A_1764 = arith.remsi %add3A_1746, %jit3A_1747 : i32
    %ne3A_1765 = arith.constant 0 : i32
    %ne3A_1766 = arith.cmpi ne, %rem3A_1764, %ne3A_1765 : i32
    %and3A_1767 = arith.andi %ne3A_1763, %ne3A_1766 : i1
    %sub3A_1768 = arith.constant 1 : i32
    %sub3A_1769 = arith.subi %div3A_1748, %sub3A_1768 : i32
    %select_n3A_1770 = arith.select %and3A_1767, %sub3A_1769, %div3A_1748 : i32
    %mul3A_1771 = arith.constant 16 : i32
    %mul3A_1772 = arith.muli %select_n3A_1770, %mul3A_1771 : i32
    %sub3A_1773 = arith.subi %add3A_1746, %mul3A_1772 : i32
    %mul3A_1774 = arith.constant 64 : i32
    %mul3A_1775 = arith.muli %select_n3A_1770, %mul3A_1774 : i32
    %mul3A_1776 = arith.constant 63 : i32
    %mul3A_1777 = arith.muli %sub3A_1773, %mul3A_1776 : i32
    %jit3A_1778 = arith.constant 15 : i32
    %div3A_1779 = arith.divsi %mul3A_1777, %jit3A_1778 : i32
    %sign3A_1780 = arith.constant 0 : i32
    %sign3A_1781 = arith.cmpi sgt, %mul3A_1777, %sign3A_1780 : i32
    %sign3A_1782 = arith.extui %sign3A_1781 : i1 to i32
    %sign3A_1783 = arith.constant 0 : i32
    %sign3A_1784 = arith.cmpi slt, %mul3A_1777, %sign3A_1783 : i32
    %sign3A_1785 = arith.extui %sign3A_1784 : i1 to i32
    %sign3A_1786 = arith.subi %sign3A_1782, %sign3A_1785 : i32
    %sign3A_1787 = arith.constant 0 : i32
    %sign3A_1788 = arith.cmpi sgt, %jit3A_1778, %sign3A_1787 : i32
    %sign3A_1789 = arith.extui %sign3A_1788 : i1 to i32
    %sign3A_1790 = arith.constant 0 : i32
    %sign3A_1791 = arith.cmpi slt, %jit3A_1778, %sign3A_1790 : i32
    %sign3A_1792 = arith.extui %sign3A_1791 : i1 to i32
    %sign3A_1793 = arith.subi %sign3A_1789, %sign3A_1792 : i32
    %ne3A_1794 = arith.cmpi ne, %sign3A_1786, %sign3A_1793 : i32
    %rem3A_1795 = arith.remsi %mul3A_1777, %jit3A_1778 : i32
    %ne3A_1796 = arith.constant 0 : i32
    %ne3A_1797 = arith.cmpi ne, %rem3A_1795, %ne3A_1796 : i32
    %and3A_1798 = arith.andi %ne3A_1794, %ne3A_1797 : i1
    %sub3A_1799 = arith.constant 1 : i32
    %sub3A_1800 = arith.subi %div3A_1779, %sub3A_1799 : i32
    %select_n3A_1801 = arith.select %and3A_1798, %sub3A_1800, %div3A_1779 : i32
    %add3A_1802 = arith.addi %mul3A_1775, %select_n3A_1801 : i32
    %dma_wait3A_1803 = arith.constant 1 : i32
    %dma_wait3A_1804 = arith.constant 0 : i32
    %dma_wait3A_1805 = arith.constant 0 : i32
    %dma_wait3A_1806 = tpu.memref_slice %arg4[%arg1, %dma_wait3A_1803, %dma_wait3A_1804, %dma_wait3A_1805] : memref<16x2x224x224xf32, #tpu.memory_space<vmem_shared>> -> memref<1x1x224x224xf32, #tpu.memory_space<vmem_shared>>
    %dma_wait3A_1807 = tpu.memref_squeeze %dma_wait3A_1806 : memref<1x1x224x224xf32, #tpu.memory_space<vmem_shared>> -> memref<224x224xf32, #tpu.memory_space<vmem_shared>>
    %dma_wait3A_1808 = arith.constant 0 : i32
    %dma_wait3A_1809 = arith.constant 0 : i32
    %dma_wait3A_1810 = tpu.memref_slice %arg2[%add3A_1802, %dma_wait3A_1808, %dma_wait3A_1809] : memref<1536x224x224xf32, #tpu.memory_space<hbm>> -> memref<1x224x224xf32, #tpu.memory_space<hbm>>
    %dma_wait3A_1811 = tpu.memref_squeeze %dma_wait3A_1810 : memref<1x224x224xf32, #tpu.memory_space<hbm>> -> memref<224x224xf32, #tpu.memory_space<hbm>>
    tpu.wait_dma2 semaphore(%arg5 : memref<!tpu.dma_semaphore, #tpu.memory_space<semaphore_mem>>) src(%dma_wait3A_1811 : memref<224x224xf32, #tpu.memory_space<hbm>>) dst(%dma_wait3A_1807 : memref<224x224xf32, #tpu.memory_space<vmem_shared>>)
    %add3A_1812 = arith.constant 11 : i32
    %add3A_1813 = arith.addi %mul3A_2, %add3A_1812 : i32
    %dma_start3A_1814 = arith.constant 1 : i32
    %dma_start3A_1815 = arith.constant 0 : i32
    %dma_start3A_1816 = arith.constant 0 : i32
    %dma_start3A_1817 = tpu.memref_slice %arg3[%add3A_1813, %dma_start3A_1815, %dma_start3A_1816] : memref<384x224x224xf32, #tpu.memory_space<hbm>> -> memref<1x224x224xf32, #tpu.memory_space<hbm>>
    %dma_start3A_1818 = tpu.memref_squeeze %dma_start3A_1817 : memref<1x224x224xf32, #tpu.memory_space<hbm>> -> memref<224x224xf32, #tpu.memory_space<hbm>>
    %dma_start3A_1819 = arith.constant 0 : i32
    %dma_start3A_1820 = arith.constant 0 : i32
    %dma_start3A_1821 = tpu.memref_slice %arg4[%arg1, %dma_start3A_1814, %dma_start3A_1819, %dma_start3A_1820] : memref<16x2x224x224xf32, #tpu.memory_space<vmem_shared>> -> memref<1x1x224x224xf32, #tpu.memory_space<vmem_shared>>
    %dma_start3A_1822 = tpu.memref_squeeze %dma_start3A_1821 : memref<1x1x224x224xf32, #tpu.memory_space<vmem_shared>> -> memref<224x224xf32, #tpu.memory_space<vmem_shared>>
    tpu.enqueue_dma source(%dma_start3A_1822 : memref<224x224xf32, #tpu.memory_space<vmem_shared>>) target(%dma_start3A_1818 : memref<224x224xf32, #tpu.memory_space<hbm>>) target_semaphore(%arg7 : memref<!tpu.dma_semaphore, #tpu.memory_space<semaphore_mem>>)
    %dma_wait3A_1823 = arith.constant 1 : i32
    %dma_wait3A_1824 = arith.constant 0 : i32
    %dma_wait3A_1825 = arith.constant 0 : i32
    %dma_wait3A_1826 = tpu.memref_slice %arg3[%add3A_1813, %dma_wait3A_1824, %dma_wait3A_1825] : memref<384x224x224xf32, #tpu.memory_space<hbm>> -> memref<1x224x224xf32, #tpu.memory_space<hbm>>
    %dma_wait3A_1827 = tpu.memref_squeeze %dma_wait3A_1826 : memref<1x224x224xf32, #tpu.memory_space<hbm>> -> memref<224x224xf32, #tpu.memory_space<hbm>>
    %dma_wait3A_1828 = arith.constant 0 : i32
    %dma_wait3A_1829 = arith.constant 0 : i32
    %dma_wait3A_1830 = tpu.memref_slice %arg4[%arg1, %dma_wait3A_1823, %dma_wait3A_1828, %dma_wait3A_1829] : memref<16x2x224x224xf32, #tpu.memory_space<vmem_shared>> -> memref<1x1x224x224xf32, #tpu.memory_space<vmem_shared>>
    %dma_wait3A_1831 = tpu.memref_squeeze %dma_wait3A_1830 : memref<1x1x224x224xf32, #tpu.memory_space<vmem_shared>> -> memref<224x224xf32, #tpu.memory_space<vmem_shared>>
    tpu.wait_dma2 semaphore(%arg7 : memref<!tpu.dma_semaphore, #tpu.memory_space<semaphore_mem>>) src(%dma_wait3A_1831 : memref<224x224xf32, #tpu.memory_space<vmem_shared>>) dst(%dma_wait3A_1827 : memref<224x224xf32, #tpu.memory_space<hbm>>)
    return
  }
}

</mosaic_0001>

<sc_bundles>
// kernel: kernel.3.cloned.1.call-start
scs
__scs_entry_jumppad:
0x0: {  	(pc) =	sbr.rel $0x88, $3  }
0x1: {  	(tag) =	ssettag $0x0;
	lr =	simm.s32 $0x1  }
0x2: {  	[smem:$0x3FA0] =	sst lr;
	_ =	strace $0xD0000000  }
0x3: {  	_ = 	snop  }
0x4: {  	_ = 	snop  }
0x5: {  	_ = 	snop  }
0x6: {  	_ = 	snop  }
0x7: {  	_ = 	snop  }
__scs_overlays_trampoline_lowered:
0x8: {  	[smem:$0x3FAF] =	sst s0  }
0x9: {  	[smem:$0x3FB0] =	sst s1  }
0xa: {  	[smem:$0x3FB1] =	sst s2  }
0xb: {  	[smem:$0x3FB2] =	sst s3  }
0xc: {  	[smem:$0x3FB3] =	sst s4  }
0xd: {  	[smem:$0x3FB4] =	sst s5  }
0xe: {  	[smem:$0x3FB5] =	sst s6  }
0xf: {  	[smem:$0x3FB6] =	sst s7  }
0x10: {  	[smem:$0x3FB7] =	sst s8  }
0x11: {  	[smem:$0x3FB8] =	sst s9;
	s0 =	simm.s32 @!p0 $0x0  }
0x12: {  	s1 =	sld [smem:$0x3F9E];
	s0 =	simm.s32 @p0 $0x1  }
0x13: {  	[smem:$0x3FB9] =	sst s0;
	s0 =	simm.s32 @!p1 $0x0  }
0x14: {  	s2 =	sld [smem:$0x3F9D];
	s0 =	simm.s32 @p1 $0x1  }
0x15: {  	[smem:$0x3FBA] =	sst s0;
	s0 =	simm.s32 @!p2 $0x0  }
0x16: {  	s3 =	sld [smem:$0x3FDB];
	s0 =	simm.s32 @p2 $0x1  }
0x17: {  	s4 =	simm.s32 $0x1BF5;
	[smem:$0x3FBC] =	sst s0  }
0x18: {  	s0 =	sld [smem:$0x3F9F];
	_ =	swait.ge [sflag:s4], $0x0  }
0x19: {  	s7 =	sld [smem:$0x3FA0]  }
0x1a: {  	s8 =	sadd.s32 $0xFFFFE003, lr  }
0x1b: {  	s9 =	sadd.s32 $0xFFFFFEF7, lr;
	s5 =	simm.s32 $0xFFFFFFFF;
	p2 =	slt.u32 s8, $0xFFFFF086  }
0x1c: {  	p1 =	slt.u32 s9, $0xF7A;
	s5 =	simm.s32 @!p2 $0x0  }
0x1d: {  	s5 =	simm.s32 @p1 $0x1;
	p0 =	seq.s32 s7, s2  }
0x1e: {  	s7 =	smul.u32 @!p0 $0xF7A, s2;
	p2 =	seq.s32 @!p0 s5, $0x0  }
0x1f: {  	s9 =	smul.u32 $0xF7A, s1;
	s8 =	simm.s32 @!p0 $0x1BF5;
	p2 =	por !p2, p0  }
0x20: {  	[sflag:s8] =	ssyncset.s32 @!p0 $0xFFFFF086;
	s6 =	sadd.s32 @!p0 s3, s7;
	s7 =	simm.s32 @!p0 $0x108  }
0x21: {  	s3 =	sadd.s32 s3, s9;
	s6 =	sadd.s32 @!p0 $0x88, s6;
	s7 =	simm.s32 @p2 $0x1082  }
0x22: {  	[simem:s7], [sflag:s8] =	dma.local @!p0 [hbm:s6], $0xF7A  }
0x23: {  	s9 =	sor.u32 $0xD0000000, s2;
	s6 =	simm.s32 $0x108;
	_ =	swait.ge @!p0 [sflag:s8], $0x0  }
0x24: {  	s3 =	sadd.s32 $0x88, s3;
	s6 =	simm.s32 @!p1 $0x1082;
	[sflag:s4] =	ssyncset.s32 $0xFFFFF086  }
0x25: {  	[simem:s6], [sflag:s4] =	dma.local [hbm:s3], $0xF7A  }
0x26: {  	[smem:$0x3FA0] =	sst s1;
	(tag) =	ssettag s2;
	_ =	strace s9  }
0x27: {  	s1 =	sld [smem:$0x3FB0]  }
0x28: {  	s2 =	sld [smem:$0x3FB1]  }
0x29: {  	s4 =	sld [smem:$0x3FB3]  }
0x2a: {  	p0 =	seq.s32 s5, $0x0;
	s5 =	sld [smem:$0x3FB4]  }
0x2b: {  	s6 =	sld [smem:$0x3FB5]  }
0x2c: {  	s7 =	sld [smem:$0x3FB6]  }
0x2d: {  	s3 =	simm.s32 $0x108;
	s8 =	sld [smem:$0x3FB7]  }
0x2e: {  	s3 =	simm.s32 @!p0 $0x1082;
	s9 =	sld [smem:$0x3FB8]  }
0x2f: {  	lr =	sadd.s32 s0, s3;
	s0 =	sld [smem:$0x3FAF]  }
0x30: {  	s3 =	sld [smem:$0x3FB2]  }
0x31: {  	[smem:$0x3FBB] =	sst s10  }
0x32: {  	s10 =	sld [smem:$0x3FB9];
	_ =	sdelay $0x3  }
0x33: {  	p0 =	seq.s32 s10, $0x1;
	s10 =	sld [smem:$0x3FBB];
	_ =	sdelay $0x3  }
0x34: {  	[smem:$0x3FBB] =	sst s10  }
0x35: {  	s10 =	sld [smem:$0x3FBA];
	_ =	sdelay $0x3  }
0x36: {  	p1 =	seq.s32 s10, $0x1;
	s10 =	sld [smem:$0x3FBB];
	_ =	sdelay $0x3  }
0x37: {  	[smem:$0x3FBB] =	sst s10  }
0x38: {  	s10 =	sld [smem:$0x3FBC]  }
0x39: {  	_ = 	snop;
	(pc) =	sbr.ind lr, $3  }
0x3a: {  	_ = 	snop  }
0x3b: {  	_ = 	snop  }
0x3c: {  	p2 =	seq.s32 s10, $0x1;
	s10 =	sld [smem:$0x3FBB]  }
0x3d: {  	_ =	shalt  }
0x3e: {  	_ =	shalt  }
0x3f: {  	_ =	shalt  }
0x40: {  	_ =	shalt  }
0x41: {  	_ =	shalt  }
0x42: {  	_ =	shalt  }
0x43: {  	_ =	shalt  }
0x44: {  	_ =	shalt  }
0x45: {  	_ =	shalt  }
0x46: {  	_ =	shalt  }
0x47: {  	_ =	shalt  }
0x48: {  	_ =	shalt  }
0x49: {  	_ =	shalt  }
0x4a: {  	_ =	shalt  }
0x4b: {  	_ =	shalt  }
0x4c: {  	_ =	shalt  }
0x4d: {  	_ =	shalt  }
0x4e: {  	_ =	shalt  }
0x4f: {  	_ =	shalt  }
0x50: {  	_ =	shalt  }
0x51: {  	_ =	shalt  }
0x52: {  	_ =	shalt  }
0x53: {  	_ =	shalt  }
0x54: {  	_ =	shalt  }
0x55: {  	_ =	shalt  }
0x56: {  	_ =	shalt  }
0x57: {  	_ =	shalt  }
0x58: {  	_ =	shalt  }
0x59: {  	_ =	shalt  }
0x5a: {  	_ =	shalt  }
0x5b: {  	_ =	shalt  }
0x5c: {  	_ =	shalt  }
0x5d: {  	_ =	shalt  }
0x5e: {  	_ =	shalt  }
0x5f: {  	_ =	shalt  }
0x60: {  	_ =	shalt  }
0x61: {  	_ =	shalt  }
0x62: {  	_ =	shalt  }
0x63: {  	_ =	shalt  }
0x64: {  	_ =	shalt  }
0x65: {  	_ =	shalt  }
0x66: {  	_ =	shalt  }
0x67: {  	_ =	shalt  }
0x68: {  	_ =	shalt  }
0x69: {  	_ =	shalt  }
0x6a: {  	_ =	shalt  }
0x6b: {  	_ =	shalt  }
0x6c: {  	_ =	shalt  }
0x6d: {  	_ =	shalt  }
0x6e: {  	_ =	shalt  }
0x6f: {  	_ =	shalt  }
0x70: {  	_ =	shalt  }
0x71: {  	_ =	shalt  }
0x72: {  	_ =	shalt  }
0x73: {  	_ =	shalt  }
0x74: {  	_ =	shalt  }
0x75: {  	_ =	shalt  }
0x76: {  	_ =	shalt  }
0x77: {  	_ =	shalt  }
0x78: {  	_ =	shalt  }
0x79: {  	_ =	shalt  }
0x7a: {  	_ =	shalt  }
0x7b: {  	_ =	shalt  }
0x7c: {  	_ =	shalt  }
0x7d: {  	_ =	shalt  }
0x7e: {  	_ =	shalt  }
0x7f: {  	_ =	shalt  }
0x80: {  	_ =	shalt  }
0x81: {  	_ =	shalt  }
0x82: {  	_ =	shalt  }
0x83: {  	_ =	shalt  }
0x84: {  	_ =	shalt  }
0x85: {  	_ =	shalt  }
0x86: {  	_ =	shalt  }
0x87: {  	_ =	shalt  }
.Lfunc_end0:
.L_simem_size_0:
called_computation_lowered:
.L_overlay_start_0:
0x88: {  	s2 =	sld [smem:$0x3FD9]  }
0x89: {  	s3 =	sld [smem:$0x3FFE];
	_ =	sdelay $0x1  }
0x8a: {  	s1 =	srdreg.scid  }
0x8b: {  	s0 =	sand.u32 $0x1, s1  }
0x8c: {  	s18 =	sshll.u32 s0, $0xA;
	s2 =	sadd.s32 s3, s2  }
0x8d: {  	s2 =	sadd.s32 s2, s18  }
0x8e: {  	[smem:$0x3FC7] =	sst s2  }
0x8f: {  	_ = 	snop  }
0x90: {  	s2 =	sld [smem:$0x3FC9]  }
0x91: {  	s19 =	sld [smem:$0x3FD0];
	(tm) =	ssettm $0x1  }
0x92: {  	s4 =	sld [smem:$0x3FFB];
	_ =	sdelay $0x3  }
0x93: {  	_ =	strace s4  }
0x94: {  	s4 =	sld [smem:$0x3FFC];
	_ =	sdelay $0x3  }
0x95: {  	_ =	strace s4  }
0x96: {  	s4 =	sld [smem:$0x3FFD];
	_ =	sdelay $0x3  }
0x97: {  	_ =	strace s4  }
0x98: {  	_ =	strace $0x8FFFFFFF  }
0x99: {  	s20 =	sld [smem:$0x3FDB];
	_ =	sdelay $0x1  }
0x9a: {  	s5 =	simm.s32 $_scs_section_size  }
0x9b: {  	s6 =	simm.s32 $_size__tile_overlayer_lowered;
	s7 =	simm.s32 $_tile_overlayer_lowered  }
0x9c: {  	s23 =	simm.s32 $0x1BFF;
	s22 =	sshll.u32 s7, $0x1;
	s4 =	sadd.s32 s5, s20  }
0x9d: {  	s8 =	simm.s32 $0x0;
	s21 =	sshll.u32 s6, $0x1;
	s6 =	sadd.s32 s22, s4  }
0x9e: {  	[timem:s8], [sflag:s23] =	dma.local [hbm:s6], s21  }
0x9f: {  	_ =	swait.ge [sflag:s23], s21  }
0xa0: {  	s5 =	ssub.s32 $0x0, s21;
	[sflag:s23] =	ssyncset.done $0x0  }
0xa1: {  	[sflag:s23] =	ssyncadd.s32 s5;
	_ =	sdelay $0x1  }
0xa2: {  	s24 =	simm.s32 $0x1B8B  }
0xa3: {  	_ =	swait.ge [sflag:s24], $0x1  }
0xa4: {  	[sflag:s24] =	ssyncset.done $0x0  }
0xa5: {  	s25 =	simm.s32 $0x1B8E;
	[sflag:s24] =	ssyncadd.s32 $0xFFFFFFFF  }
0xa6: {  	s26 =	simm.s32 $execute0_lowered;
	[smem:$0x3FD2] =	sst s25  }
0xa7: {  	s5 =	sshll.u32 s26, $0x1;
	_ =	strace $0x80000046;
	[dreg:$0x1] =	wrdreg $0xFFFFFFFF  }
0xa8: {  	s28 =	simm.s32 $_size_execute0_lowered;
	s4 =	sadd.s32 s4, s5;
	[dreg:$0x0] =	wrdreg $0x0  }
0xa9: {  	s5 =	sshll.u32 s28, $0x1;
	[dreg:$0x2] =	wrdreg s4  }
0xaa: {  	[dreg:$0x3] =	wrdreg s5  }
0xab: {  	[dreg:$0x4] =	wrdreg $0xC0  }
0xac: {  	_ =	task [dreg:s8], $0x5FFFF  }
0xad: {  	[dreg:$0x1] =	wrdreg $0xFFFFFFFF  }
0xae: {  	[dreg:$0x0] =	wrdreg $0x60  }
0xaf: {  	[dreg:$0x2] =	wrdreg s2  }
0xb0: {  	[dreg:$0x3] =	wrdreg s19  }
0xb1: {  	[dreg:$0x4] =	wrdreg $0x0  }
0xb2: {  	[dreg:$0x5] =	wrdreg $0x9  }
0xb3: {  	_ =	task.clear_ibuf [dreg:s8], $0x6FFFF;
	_ =	strace $0x90000046  }
0xb4: {  	s29 =	simm.s32 $0x9;
	_ =	strace $0x80000048  }
0xb5: {  	_ =	swait.ge [sflag:s29], $0x1  }
0xb6: {  	[sflag:s29] =	ssyncadd.s32 $0xFFFFFFFF  }
0xb7: {  	_ =	strace $0x90000048  }
0xb8: {  	_ =	sfence  }
0xb9: {  	s30 =	sld [smem:$0x0];
	_ =	sdelay $0x2  }
0xba: {  	s31 =	sshll.u32 s1, $0xD;
	s1 =	sshrl.u32 s1, $0x2  }
0xbb: {  	s3 =	sand.u32 $0x4000, s31;
	s1 =	sadd.s32 s1, s30  }
0xbc: {  	s0 =	sor.u32 s3, s0;
	s1 =	sshll.u32 s1, $0x11  }
0xbd: {  	s0 =	sor.u32 s1, s0  }
0xbe: {  	s0 =	sadd.s32 $0x8F2B, s0  }
0xbf: {  	[sflag:s0] =	ssyncadd.remote.s32 $0x1  }
0xc0: {  	_ =	sfence.sel $0xFFFF  }
0xc1: {  	[dreg:$0x0] =	wrdreg $0xFFFFFFFF;
	(pc) =	sbr.abs _section_cstart, $3  }
0xc2: {  	[dreg:$0x1] =	wrdreg $0xFFFFFFFF  }
0xc3: {  	_ =	task.clear_ibuf [dreg:s8], $0x2FFFF;
	_ =	strace $0x9FFFFFFF  }
0xc4: {  	(tm) =	ssettm $0x7FFFFFFF  }
0xc5: {  	_ =	shalt  }
tec
execute0_lowered:
.L_overlay_start_1:
0x0: {  	(tag) =	ssettag $0x1  }
0x1: {  	s1 =	srdreg.scid;
	s0 =	stileid.u32  }
0x2: {  	s19 =	sand.u32 $0x1, s1;
	s16 =	sshll.u32 s0, $0x1  }
0x3: {  	s20 =	rddreg [dreg:$0x0];
	s21 =	smul.u32 $0x70000, s0;
	s2 =	sor.u32 s19, s16  }
0x4: {  	s14 =	rddreg [dreg:$0x1];
	s23 =	smul.u32 $0xC, s2  }
0x5: {  	s7 =	rddreg [dreg:$0x2];
	s12 =	simm.s32 $0x0;
	s5 =	smul.u32 $0x30, s2  }
0x6: {  	s17 =	sand.u32 $0xC, s23;
	s3 =	sor.u32 $0x1, s23;
	s4 =	sand.u32 $0x1F0, s23  }
0x7: {  	s1 =	rddreg [dreg:$0x3];
	s6 =	smul.u32 $0x4336E, s17;
	s8 =	ssub.s32 s3, s4  }
0x8: {  	[smem:$0x7FF] =	sst s12;
	s10 =	sand.u32 $0x7C0, s5;
	s9 =	smul.u32 $0x3F, s8  }
0x9: {  	s24 =	smul.u32 $0xFFFFCCD1, s8;
	s18 =	sshrl.u32 s6, $0x10;
	s6 =	sshrl.u32 s21, $0x2  }
0xa: {  	s5 =	sor.u32 s18, s10;
	s11 =	sshll.u32 s9, $0x10;
	s18 =	smul.u32 $0x15000, s2  }
0xb: {  	s7 =	sadd.s32 s6, s7;
	s6 =	sor.u32 $0x2, s23;
	s5 =	smul.u32 $0x1C00, s5  }
0xc: {  	s11 =	sshra.s32 s11, $0x10;
	s25 =	ssub.s32 s6, s4;
	s6 =	smul.u32 $0x1C00, s6  }
0xd: {  	_ =	strace $0x80000047;
	s12 =	sor.u32 $0x3, s23;
	s11 =	smul.u32 $0xFFFF8889, s11  }
0xe: {  	p0 =	slt.s32 s8, $0x0;
	s15 =	smul.u32 $0x3F, s25;
	s5 =	sadd.s32 s20, s5  }
0xf: {  	s31 =	smul.u32 $0xFFFFCCD1, s25;
	p3 =	slt.s32 s25, $0x0;
	[dreg:$0x4] =	wrdreg s5  }
0x10: {  	s22 =	sshrl.u32 s11, $0x10;
	s11 =	sadd.s32 $0x888, s24;
	s16 =	sshll.u32 s15, $0x10  }
0x11: {  	s5 =	sadd.s32 s9, s22;
	s9 =	sshll.u32 s0, $0x6;
	s11 =	sand.u32 $0xFFFD, s11  }
0x12: {  	s26 =	sshra.s32 s16, $0x10;
	s22 =	smul.u32 $0x1C00, s3;
	s3 =	simm.s32 $0x1  }
0x13: {  	s13 =	sand.u32 $0x8000, s5;
	s5 =	sshll.u32 s5, $0x10;
	p1 =	sgt.u32 s11, $0x1110  }
0x14: {  	s8 =	smul.u32 $0xFFFF8889, s26;
	s13 =	sshrl.u32 s13, $0xF;
	s5 =	sshra.s32 s5, $0x13  }
0x15: {  	s11 =	simm.s32 $0x1;
	p0 =	por !p0, !p1;
	s5 =	sadd.s32 s13, s5  }
0x16: {  	p0 =	por !p0, !p0;
	s8 =	sshrl.u32 s8, $0x10;
	s5 =	sadd.s32 s5, s10  }
0x17: {  	s11 =	simm.s32 @!p0 $0x0;
	s8 =	sadd.s32 s15, s8;
	s15 =	sadd.s32 $0x888, s31  }
0x18: {  	s2 =	sor.u32 $0x1C01, s9;
	s5 =	ssub.s32 s5, s11;
	s11 =	sand.u32 $0xFFFE, s15  }
0x19: {  	s16 =	sand.u32 $0x8000, s8;
	s8 =	sshll.u32 s8, $0x10;
	p4 =	sgt.u32 s11, $0x1110  }
0x1a: {  	s17 =	sshrl.u32 s16, $0xF;
	s8 =	sshra.s32 s8, $0x13;
	p0 =	por !p3, !p4  }
0x1b: {  	s11 =	simm.s32 $0x1;
	s8 =	sadd.s32 s17, s8;
	p0 =	por !p0, !p0  }
0x1c: {  	s25 =	sadd.s32 s14, s22;
	s21 =	sadd.s32 s8, s10;
	s11 =	simm.s32 @!p0 $0x0  }
0x1d: {  	[dreg:$0x6] =	wrdreg s25;
	s5 =	smul.u32 $0xE000, s5;
	s24 =	ssub.s32 s21, s11  }
0x1e: {  	s31 =	rddreg [dreg:$0x4];
	s15 =	sadd.s32 s14, s6;
	s11 =	smul.u32 $0xE000, s24  }
0x1f: {  	s6 =	sor.u32 $0x1C02, s9;
	s9 =	sor.u32 $0x1C03, s9;
	s5 =	sshrl.u32 s5, $0x3  }
0x20: {  	[dreg:$0x8] =	wrdreg s15;
	s5 =	sadd.s32 s20, s5;
	s26 =	sshrl.u32 s11, $0x3  }
0x21: {  	[dreg:$0x5] =	wrdreg s5;
	s11 =	ssub.s32 s12, s4;
	s5 =	sadd.s32 s20, s26  }
0x22: {  	s4 =	sshrl.u32 s7, $0x3;
	s16 =	smul.u32 $0x3F, s11;
	[dreg:$0x7] =	wrdreg s5  }
0x23: {  	[spmem:s4], [sflag:s2] =	dma.local [hbm:s31], $0x1C00  }
0x24: {  	s5 =	sadd.s32 s14, s18;
	s17 =	sshll.u32 s16, $0x10;
	_ =	swait.ge [sflag:s3], $0x1C00  }
0x25: {  	s18 =	sshra.s32 s17, $0x10;
	s17 =	smul.u32 $0xFFFFCCD1, s11;
	[sflag:s3] =	ssyncset.done $0x0  }
0x26: {  	s7 =	sadd.s32 $0xE000, s7;
	s8 =	smul.u32 $0xFFFF8889, s18;
	[sflag:s3] =	ssyncadd.s32 $0xFFFFE400  }
0x27: {  	[hbm:s5], [sflag:s6] =	dma.local [spmem:s4], $0x1C00  }
0x28: {  	s7 =	sshrl.u32 s7, $0x3;
	s26 =	sadd.s32 $0x888, s17;
	s8 =	sshrl.u32 s8, $0x10  }
0x29: {  	s15 =	sand.u32 $0xFFFF, s26;
	s21 =	rddreg [dreg:$0x5];
	s22 =	sadd.s32 s16, s8  }
0x2a: {  	[spmem:s7], [sflag:s2] =	dma.local [hbm:s21], $0x1C00  }
0x2b: {  	p5 =	slt.s32 s11, $0x0;
	p6 =	sgt.u32 s15, $0x1110;
	s8 =	sand.u32 $0x8000, s22  }
0x2c: {  	s13 =	sshll.u32 s22, $0x10;
	p0 =	por !p5, !p6;
	_ =	swait.ge [sflag:s3], $0x1C00  }
0x2d: {  	s25 =	sshrl.u32 s8, $0xF;
	s8 =	simm.s32 $0x2;
	[sflag:s3] =	ssyncset.done $0x0  }
0x2e: {  	s13 =	sshra.s32 s13, $0x13;
	s24 =	rddreg [dreg:$0x6];
	[sflag:s3] =	ssyncadd.s32 $0xFFFFE400  }
0x2f: {  	[hbm:s24], [sflag:s9] =	dma.local [spmem:s7], $0x1C00  }
0x30: {  	p0 =	por !p0, !p0;
	s18 =	sadd.s32 s25, s13;
	_ =	swait.ge [sflag:s8], $0x1C00  }
0x31: {  	s13 =	simm.s32 $0x1;
	s10 =	sadd.s32 s18, s10;
	[sflag:s8] =	ssyncset.done $0x0  }
0x32: {  	s13 =	simm.s32 @!p0 $0x0;
	s31 =	rddreg [dreg:$0x7];
	[sflag:s8] =	ssyncadd.s32 $0xFFFFE400  }
0x33: {  	[spmem:s4], [sflag:s2] =	dma.local [hbm:s31], $0x1C00  }
0x34: {  	s10 =	ssub.s32 s10, s13;
	_ =	swait.ge [sflag:s3], $0x1C00  }
0x35: {  	s13 =	smul.u32 $0xE000, s10;
	[sflag:s3] =	ssyncset.done $0x0  }
0x36: {  	s10 =	simm.s32 $0x3;
	s21 =	rddreg [dreg:$0x8];
	[sflag:s3] =	ssyncadd.s32 $0xFFFFE400  }
0x37: {  	[hbm:s21], [sflag:s6] =	dma.local [spmem:s4], $0x1C00  }
0x38: {  	s22 =	sadd.s32 $0x4, s23;
	_ =	swait.ge [sflag:s10], $0x1C00  }
0x39: {  	s25 =	sand.u32 $0xC, s22;
	s24 =	sshrl.u32 s13, $0x3;
	[sflag:s10] =	ssyncset.done $0x0  }
0x3a: {  	s13 =	smul.u32 $0x4336E, s25;
	s11 =	sadd.s32 s20, s24;
	[sflag:s10] =	ssyncadd.s32 $0xFFFFE400  }
0x3b: {  	[spmem:s7], [sflag:s2] =	dma.local [hbm:s11], $0x1C00  }
0x3c: {  	s12 =	smul.u32 $0x1C00, s12;
	s26 =	sshll.u32 s22, $0x2;
	_ =	swait.ge [sflag:s3], $0x1C00  }
0x3d: {  	s16 =	sand.u32 $0xFC0, s26;
	s13 =	sshrl.u32 s13, $0x10;
	[sflag:s3] =	ssyncset.done $0x0  }
0x3e: {  	s12 =	sadd.s32 s14, s12;
	s13 =	sor.u32 s13, s16;
	[sflag:s3] =	ssyncadd.s32 $0xFFFFE400  }
0x3f: {  	[hbm:s12], [sflag:s9] =	dma.local [spmem:s7], $0x1C00  }
0x40: {  	s31 =	sadd.s32 $0x5, s23;
	s13 =	smul.u32 $0x1C00, s13;
	_ =	swait.ge [sflag:s8], $0x1C00  }
0x41: {  	s18 =	sand.u32 $0xD, s31;
	[sflag:s8] =	ssyncset.done $0x0  }
0x42: {  	s17 =	smul.u32 $0x4336E, s18;
	s13 =	sadd.s32 s20, s13;
	[sflag:s8] =	ssyncadd.s32 $0xFFFFE400  }
0x43: {  	[spmem:s4], [sflag:s2] =	dma.local [hbm:s13], $0x1C00  }
0x44: {  	s15 =	smul.u32 $0x1C00, s22;
	s16 =	sshll.u32 s31, $0x2;
	_ =	swait.ge [sflag:s3], $0x1C00  }
0x45: {  	s16 =	sand.u32 $0xFC0, s16;
	s17 =	sshrl.u32 s17, $0x10;
	[sflag:s3] =	ssyncset.done $0x0  }
0x46: {  	s14 =	sadd.s32 s14, s15;
	s21 =	sor.u32 s17, s16;
	[sflag:s3] =	ssyncadd.s32 $0xFFFFE400  }
0x47: {  	[hbm:s14], [sflag:s6] =	dma.local [spmem:s4], $0x1C00  }
0x48: {  	s22 =	sadd.s32 $0x6, s23;
	s15 =	smul.u32 $0x1C00, s21;
	_ =	swait.ge [sflag:s10], $0x1C00  }
0x49: {  	s24 =	sand.u32 $0xE, s22;
	[sflag:s10] =	ssyncset.done $0x0  }
0x4a: {  	s17 =	smul.u32 $0x4336E, s24;
	s15 =	sadd.s32 s20, s15;
	[sflag:s10] =	ssyncadd.s32 $0xFFFFE400  }
0x4b: {  	[spmem:s7], [sflag:s2] =	dma.local [hbm:s15], $0x1C00  }
0x4c: {  	s16 =	sshll.u32 s22, $0x2;
	_ =	swait.ge [sflag:s3], $0x1C00  }
0x4d: {  	s18 =	sand.u32 $0xFC0, s16;
	s17 =	sshrl.u32 s17, $0x10;
	[sflag:s3] =	ssyncset.done $0x0  }
0x4e: {  	s16 =	sadd.s32 $0x8C00, s5;
	s17 =	sor.u32 s17, s18;
	[sflag:s3] =	ssyncadd.s32 $0xFFFFE400  }
0x4f: {  	[hbm:s16], [sflag:s9] =	dma.local [spmem:s7], $0x1C00  }
0x50: {  	s25 =	sadd.s32 $0x7, s23;
	s17 =	smul.u32 $0x1C00, s17;
	_ =	swait.ge [sflag:s8], $0x1C00  }
0x51: {  	s21 =	sand.u32 $0xF, s25;
	[sflag:s8] =	ssyncset.done $0x0  }
0x52: {  	s21 =	smul.u32 $0x4336E, s21;
	s17 =	sadd.s32 s20, s17;
	[sflag:s8] =	ssyncadd.s32 $0xFFFFE400  }
0x53: {  	[spmem:s4], [sflag:s2] =	dma.local [hbm:s17], $0x1C00  }
0x54: {  	s18 =	sshll.u32 s25, $0x2;
	_ =	swait.ge [sflag:s3], $0x1C00  }
0x55: {  	s22 =	sand.u32 $0xFC0, s18;
	s21 =	sshrl.u32 s21, $0x10;
	[sflag:s3] =	ssyncset.done $0x0  }
0x56: {  	s18 =	sadd.s32 $0xA800, s5;
	s21 =	sor.u32 s21, s22;
	[sflag:s3] =	ssyncadd.s32 $0xFFFFE400  }
0x57: {  	[hbm:s18], [sflag:s6] =	dma.local [spmem:s4], $0x1C00  }
0x58: {  	s26 =	sadd.s32 $0x8, s23;
	s21 =	smul.u32 $0x1C00, s21;
	_ =	swait.ge [sflag:s10], $0x1C00  }
0x59: {  	s24 =	sand.u32 $0xC, s26;
	[sflag:s10] =	ssyncset.done $0x0  }
0x5a: {  	s24 =	smul.u32 $0x4336E, s24;
	s21 =	sadd.s32 s20, s21;
	[sflag:s10] =	ssyncadd.s32 $0xFFFFE400  }
0x5b: {  	[spmem:s7], [sflag:s2] =	dma.local [hbm:s21], $0x1C00  }
0x5c: {  	s28 =	sadd.s32 $0xA, s23;
	s22 =	sshll.u32 s26, $0x2;
	_ =	swait.ge [sflag:s3], $0x1C00  }
0x5d: {  	s24 =	sshrl.u32 s24, $0x10;
	s25 =	sand.u32 $0xFC0, s22;
	[sflag:s3] =	ssyncset.done $0x0  }
0x5e: {  	s22 =	sadd.s32 $0xC400, s5;
	s24 =	sor.u32 s24, s25;
	[sflag:s3] =	ssyncadd.s32 $0xFFFFE400  }
0x5f: {  	[hbm:s22], [sflag:s9] =	dma.local [spmem:s7], $0x1C00  }
0x60: {  	s31 =	sadd.s32 $0x9, s23;
	s24 =	smul.u32 $0x1C00, s24;
	_ =	swait.ge [sflag:s8], $0x1C00  }
0x61: {  	s29 =	sand.u32 $0xE, s28;
	s26 =	sand.u32 $0xD, s31;
	[sflag:s8] =	ssyncset.done $0x0  }
0x62: {  	s26 =	smul.u32 $0x4336E, s26;
	s24 =	sadd.s32 s20, s24;
	[sflag:s8] =	ssyncadd.s32 $0xFFFFE400  }
0x63: {  	[spmem:s4], [sflag:s2] =	dma.local [hbm:s24], $0x1C00  }
0x64: {  	s29 =	smul.u32 $0x4336E, s29;
	s25 =	sshll.u32 s31, $0x2;
	_ =	swait.ge [sflag:s3], $0x1C00  }
0x65: {  	s25 =	sand.u32 $0xFC0, s25;
	s26 =	sshrl.u32 s26, $0x10;
	[sflag:s3] =	ssyncset.done $0x0  }
0x66: {  	s26 =	sor.u32 s26, s25;
	s25 =	sadd.s32 $0xE000, s5;
	[sflag:s3] =	ssyncadd.s32 $0xFFFFE400  }
0x67: {  	[hbm:s25], [sflag:s6] =	dma.local [spmem:s4], $0x1C00  }
0x68: {  	s28 =	sshll.u32 s28, $0x2;
	s26 =	smul.u32 $0x1C00, s26;
	_ =	swait.ge [sflag:s10], $0x1C00  }
0x69: {  	s28 =	sand.u32 $0xFC0, s28;
	s29 =	sshrl.u32 s29, $0x10;
	[sflag:s10] =	ssyncset.done $0x0  }
0x6a: {  	s29 =	sor.u32 s29, s28;
	s26 =	sadd.s32 s20, s26;
	[sflag:s10] =	ssyncadd.s32 $0xFFFFE400  }
0x6b: {  	[spmem:s7], [sflag:s2] =	dma.local [hbm:s26], $0x1C00  }
0x6c: {  	s30 =	sadd.s32 $0xB, s23;
	s29 =	smul.u32 $0x1C00, s29;
	_ =	swait.ge [sflag:s3], $0x1C00  }
0x6d: {  	s28 =	sadd.s32 $0xFC00, s5;
	s31 =	sand.u32 $0xF, s30;
	[sflag:s3] =	ssyncset.done $0x0  }
0x6e: {  	s23 =	sadd.s32 s20, s29;
	s29 =	smul.u32 $0x4336E, s31;
	[sflag:s3] =	ssyncadd.s32 $0xFFFFE400  }
0x6f: {  	[hbm:s28], [sflag:s9] =	dma.local [spmem:s7], $0x1C00  }
0x70: {  	s30 =	sshll.u32 s30, $0x2;
	_ =	swait.ge [sflag:s8], $0x1C00  }
0x71: {  	s30 =	sand.u32 $0xFC0, s30;
	s29 =	sshrl.u32 s29, $0x10;
	[sflag:s8] =	ssyncset.done $0x0  }
0x72: {  	s30 =	sor.u32 s29, s30;
	[sflag:s8] =	ssyncadd.s32 $0xFFFFE400  }
0x73: {  	[spmem:s4], [sflag:s2] =	dma.local [hbm:s23], $0x1C00  }
0x74: {  	s30 =	smul.u32 $0x1C00, s30;
	_ =	swait.ge [sflag:s3], $0x1C00  }
0x75: {  	s19 =	ssub.s32 $0x2, s19;
	s29 =	sadd.s32 $0x11800, s5;
	[sflag:s3] =	ssyncset.done $0x0  }
0x76: {  	s20 =	sadd.s32 s20, s30;
	s30 =	sshrl.u32 s19, $0x1;
	[sflag:s3] =	ssyncadd.s32 $0xFFFFE400  }
0x77: {  	[hbm:s29], [sflag:s6] =	dma.local [spmem:s4], $0x1C00  }
0x78: {  	s19 =	ssub.s32 s19, s30;
	_ =	swait.ge [sflag:s10], $0x1C00  }
0x79: {  	s30 =	smax.u32 s19, $0x1;
	[sflag:s10] =	ssyncset.done $0x0  }
0x7a: {  	p0 =	sne.s32 s30, $0x1;
	[sflag:s10] =	ssyncadd.s32 $0xFFFFE400  }
0x7b: {  	[spmem:s7], [sflag:s2] =	dma.local [hbm:s20], $0x1C00  }
.Ltmp0:
0x7c: {  	_ =	swait.ge [sflag:s3], $0x1C00;
	(pc) =	sbr.rel @!p0 .LBB2_2-.Ltmp0, $4  }
0x7d: {  	[sflag:s3] =	ssyncset.done $0x0  }
0x7e: {  	s19 =	sadd.s32 $0x13400, s5;
	[sflag:s3] =	ssyncadd.s32 $0xFFFFE400  }
0x7f: {  	[hbm:s19], [sflag:s9] =	dma.local [spmem:s7], $0x1C00  }
0x80: {  	s30 =	sadd.s32 $0xFFFFFFFF, s30;
	_ =	swait.ge [sflag:s10], $0x1C00  }
.LBB2_1:
0x81: {  	[sflag:s10] =	ssyncset.done $0x0  }
0x82: {  	s31 =	rddreg [dreg:$0x4];
	[sflag:s10] =	ssyncadd.s32 $0xFFFFE400  }
0x83: {  	[spmem:s4], [sflag:s2] =	dma.local [hbm:s31], $0x1C00  }
0x84: {  	_ =	swait.ge [sflag:s3], $0x1C00  }
0x85: {  	[sflag:s3] =	ssyncset.done $0x0  }
0x86: {  	[sflag:s3] =	ssyncadd.s32 $0xFFFFE400  }
0x87: {  	[hbm:s5], [sflag:s6] =	dma.local [spmem:s4], $0x1C00  }
0x88: {  	s31 =	rddreg [dreg:$0x5]  }
0x89: {  	[spmem:s7], [sflag:s2] =	dma.local [hbm:s31], $0x1C00  }
0x8a: {  	_ =	swait.ge [sflag:s3], $0x1C00  }
0x8b: {  	[sflag:s3] =	ssyncset.done $0x0  }
0x8c: {  	s31 =	rddreg [dreg:$0x6];
	[sflag:s3] =	ssyncadd.s32 $0xFFFFE400  }
0x8d: {  	[hbm:s31], [sflag:s9] =	dma.local [spmem:s7], $0x1C00  }
0x8e: {  	_ =	swait.ge [sflag:s8], $0x1C00  }
0x8f: {  	[sflag:s8] =	ssyncset.done $0x0  }
0x90: {  	s31 =	rddreg [dreg:$0x7];
	[sflag:s8] =	ssyncadd.s32 $0xFFFFE400  }
0x91: {  	[spmem:s4], [sflag:s2] =	dma.local [hbm:s31], $0x1C00  }
0x92: {  	_ =	swait.ge [sflag:s3], $0x1C00  }
0x93: {  	[sflag:s3] =	ssyncset.done $0x0  }
0x94: {  	s31 =	rddreg [dreg:$0x8];
	[sflag:s3] =	ssyncadd.s32 $0xFFFFE400  }
0x95: {  	[hbm:s31], [sflag:s6] =	dma.local [spmem:s4], $0x1C00  }
0x96: {  	_ =	swait.ge [sflag:s10], $0x1C00  }
0x97: {  	[sflag:s10] =	ssyncset.done $0x0  }
0x98: {  	[sflag:s10] =	ssyncadd.s32 $0xFFFFE400  }
0x99: {  	[spmem:s7], [sflag:s2] =	dma.local [hbm:s11], $0x1C00  }
0x9a: {  	_ =	swait.ge [sflag:s3], $0x1C00  }
0x9b: {  	[sflag:s3] =	ssyncset.done $0x0  }
0x9c: {  	[sflag:s3] =	ssyncadd.s32 $0xFFFFE400  }
0x9d: {  	[hbm:s12], [sflag:s9] =	dma.local [spmem:s7], $0x1C00  }
0x9e: {  	_ =	swait.ge [sflag:s8], $0x1C00  }
0x9f: {  	[sflag:s8] =	ssyncset.done $0x0  }
0xa0: {  	[sflag:s8] =	ssyncadd.s32 $0xFFFFE400  }
0xa1: {  	[spmem:s4], [sflag:s2] =	dma.local [hbm:s13], $0x1C00  }
0xa2: {  	_ =	swait.ge [sflag:s3], $0x1C00  }
0xa3: {  	[sflag:s3] =	ssyncset.done $0x0  }
0xa4: {  	[sflag:s3] =	ssyncadd.s32 $0xFFFFE400  }
0xa5: {  	[hbm:s14], [sflag:s6] =	dma.local [spmem:s4], $0x1C00  }
0xa6: {  	_ =	swait.ge [sflag:s10], $0x1C00  }
0xa7: {  	[sflag:s10] =	ssyncset.done $0x0  }
0xa8: {  	[sflag:s10] =	ssyncadd.s32 $0xFFFFE400  }
0xa9: {  	[spmem:s7], [sflag:s2] =	dma.local [hbm:s15], $0x1C00  }
0xaa: {  	_ =	swait.ge [sflag:s3], $0x1C00  }
0xab: {  	[sflag:s3] =	ssyncset.done $0x0  }
0xac: {  	[sflag:s3] =	ssyncadd.s32 $0xFFFFE400  }
0xad: {  	[hbm:s16], [sflag:s9] =	dma.local [spmem:s7], $0x1C00  }
0xae: {  	_ =	swait.ge [sflag:s8], $0x1C00  }
0xaf: {  	[sflag:s8] =	ssyncset.done $0x0  }
0xb0: {  	[sflag:s8] =	ssyncadd.s32 $0xFFFFE400  }
0xb1: {  	[spmem:s4], [sflag:s2] =	dma.local [hbm:s17], $0x1C00  }
0xb2: {  	_ =	swait.ge [sflag:s3], $0x1C00  }
0xb3: {  	[sflag:s3] =	ssyncset.done $0x0  }
0xb4: {  	[sflag:s3] =	ssyncadd.s32 $0xFFFFE400  }
0xb5: {  	[hbm:s18], [sflag:s6] =	dma.local [spmem:s4], $0x1C00  }
0xb6: {  	_ =	swait.ge [sflag:s10], $0x1C00  }
0xb7: {  	[sflag:s10] =	ssyncset.done $0x0  }
0xb8: {  	[sflag:s10] =	ssyncadd.s32 $0xFFFFE400  }
0xb9: {  	[spmem:s7], [sflag:s2] =	dma.local [hbm:s21], $0x1C00  }
0xba: {  	_ =	swait.ge [sflag:s3], $0x1C00  }
0xbb: {  	[sflag:s3] =	ssyncset.done $0x0  }
0xbc: {  	[sflag:s3] =	ssyncadd.s32 $0xFFFFE400  }
0xbd: {  	[hbm:s22], [sflag:s9] =	dma.local [spmem:s7], $0x1C00  }
0xbe: {  	_ =	swait.ge [sflag:s8], $0x1C00  }
0xbf: {  	[sflag:s8] =	ssyncset.done $0x0  }
0xc0: {  	[sflag:s8] =	ssyncadd.s32 $0xFFFFE400  }
0xc1: {  	[spmem:s4], [sflag:s2] =	dma.local [hbm:s24], $0x1C00  }
0xc2: {  	_ =	swait.ge [sflag:s3], $0x1C00  }
0xc3: {  	[sflag:s3] =	ssyncset.done $0x0  }
0xc4: {  	[sflag:s3] =	ssyncadd.s32 $0xFFFFE400  }
0xc5: {  	[hbm:s25], [sflag:s6] =	dma.local [spmem:s4], $0x1C00  }
0xc6: {  	_ =	swait.ge [sflag:s10], $0x1C00  }
0xc7: {  	[sflag:s10] =	ssyncset.done $0x0  }
0xc8: {  	[sflag:s10] =	ssyncadd.s32 $0xFFFFE400  }
0xc9: {  	[spmem:s7], [sflag:s2] =	dma.local [hbm:s26], $0x1C00  }
0xca: {  	_ =	swait.ge [sflag:s3], $0x1C00  }
0xcb: {  	[sflag:s3] =	ssyncset.done $0x0  }
0xcc: {  	[sflag:s3] =	ssyncadd.s32 $0xFFFFE400  }
0xcd: {  	[hbm:s28], [sflag:s9] =	dma.local [spmem:s7], $0x1C00  }
0xce: {  	_ =	swait.ge [sflag:s8], $0x1C00  }
0xcf: {  	[sflag:s8] =	ssyncset.done $0x0  }
0xd0: {  	[sflag:s8] =	ssyncadd.s32 $0xFFFFE400  }
0xd1: {  	[spmem:s4], [sflag:s2] =	dma.local [hbm:s23], $0x1C00  }
0xd2: {  	_ =	swait.ge [sflag:s3], $0x1C00  }
0xd3: {  	[sflag:s3] =	ssyncset.done $0x0  }
0xd4: {  	[sflag:s3] =	ssyncadd.s32 $0xFFFFE400  }
0xd5: {  	[hbm:s29], [sflag:s6] =	dma.local [spmem:s4], $0x1C00  }
0xd6: {  	_ =	swait.ge [sflag:s10], $0x1C00  }
0xd7: {  	[sflag:s10] =	ssyncset.done $0x0  }
0xd8: {  	p0 =	sne.s32 s30, $0x1;
	[sflag:s10] =	ssyncadd.s32 $0xFFFFE400  }
0xd9: {  	[spmem:s7], [sflag:s2] =	dma.local [hbm:s20], $0x1C00  }
.Ltmp1:
0xda: {  	_ =	swait.ge [sflag:s3], $0x1C00;
	(pc) =	sbr.rel @p0 .LBB2_1-.Ltmp1, $4  }
0xdb: {  	[sflag:s3] =	ssyncset.done $0x0  }
0xdc: {  	[sflag:s3] =	ssyncadd.s32 $0xFFFFE400  }
0xdd: {  	[hbm:s19], [sflag:s9] =	dma.local [spmem:s7], $0x1C00  }
0xde: {  	s30 =	sadd.s32 $0xFFFFFFFF, s30;
	_ =	swait.ge [sflag:s10], $0x1C00  }
.LBB2_2:
0xdf: {  	[sflag:s10] =	ssyncset.done $0x0  }
0xe0: {  	[sflag:s10] =	ssyncadd.s32 $0xFFFFE400  }
0xe1: {  	_ =	sfence.sel $0x180000  }
0xe2: {  	[bflag:$0x0] =	sbarrier.arrive $0xFFFF  }
0xe3: {  	p0 =	sne.s32 s0, $0x0;
	_ =	strace $0x90000047  }
0xe4: {  	s0 =	sadd.s32 @!p0 $0x100000, s1;
	[bflag:$0x2] =	sbarrier.arrive $0xFFFF  }
0xe5: {  	[sflag:s0] =	ssyncadd.tile.s32 @!p0 $0x1;
	_ =	shalt  }
.Lfunc_end2:
_tile_overlayer_lowered:
.L_overlay_start_2:
0xe6: {  	(tag) =	ssettag $0x2  }
0xe7: {  	s0 =	rddreg [dreg:$0x0];
	s2 =	stileid.u32  }
0xe8: {  	s1 =	rddreg [dreg:$0x1];
	p0 =	sne.s32 s2, $0x0  }
0xe9: {  	s3 =	rddreg [dreg:$0x2];
	[bflag:$0x3] =	sbarrier.arrive $0xFFFF;
	s2 =	simm.s32 @!p0 $0x1C04  }
0xea: {  	[timem:s3], [sflag:s2] =	dma.local @!p0 [hbm:s0], s1  }
0xeb: {  	s0 =	simm.s32 @!p0 $0x4  }
0xec: {  	_ =	swait.ge @!p0 [sflag:s0], s1  }
0xed: {  	s1 =	ssub.s32 @!p0 $0x0, s1;
	[sflag:s0] =	ssyncset.done @!p0 $0x0  }
0xee: {  	[sflag:s0] =	ssyncadd.s32 @!p0 s1  }
0xef: {  	[bflag:$0x3] =	sbarrier.arrive $0xFFFF  }
0xf0: {  	_ =	shalt  }

</sc_bundles>
